<compile_context>
chip_gen: v7x
topology: tpu7x:2x2x1
jax: 0.10.2.dev20260603
libtpu: 0.0.44.dev20260713+nightly
codegen_flags: <defaults>
</compile_context>

<pallas_src>
import functools

import jax
import jax.numpy as jnp
from jax import lax
from jax.experimental import pallas as pl
from jax.experimental.pallas import tpu as pltpu
from jax.experimental.pallas import tpu_sc as plsc

_VOCAB = 1000000
_HIDDEN = 64
_BATCH = 4096
_SEQ = 200

_TOT = _BATCH * _SEQ
_CH = 128
_NBC = _BATCH // _CH
_NC = 2
_NS = 16
_NW = _NC * _NS
_CPW = _TOT // (_CH * _NW)
_L = 16
_D = 4

_mesh = plsc.VectorSubcoreMesh(core_axis_name="c", subcore_axis_name="s")


@functools.partial(
    pl.kernel,
    out_type=jax.ShapeDtypeStruct((_SEQ, _HIDDEN // 8, _NBC, 8 * _CH), jnp.float32),
    mesh=_mesh,
    compiler_params=pltpu.CompilerParams(
        use_tc_tiling_on_sc=False, needs_layout_passes=False
    ),
    scratch_types=(
        [pltpu.VMEM((_CPW, _CH), jnp.int32)]
        + [pltpu.VMEM((_CH, _HIDDEN), jnp.float32)] * _D
        + [pltpu.VMEM((_CH * _HIDDEN,), jnp.float32)] * _D
        + [pltpu.SemaphoreType.DMA] * _D
        + [pltpu.SemaphoreType.DMA] * _D
    ),
)
def _embed_gather(ids_hbm, table_hbm, out_hbm, idx_v, *bufs):
    buf = bufs[:_D]
    tb = bufs[_D:2 * _D]
    gsem = bufs[2 * _D:3 * _D]
    psem = bufs[3 * _D:4 * _D]

    wid = lax.axis_index("s") * _NC + lax.axis_index("c")
    crow = wid * _CPW
    pltpu.sync_copy(ids_hbm.at[pl.ds(crow, _CPW)], idx_v)

    iota = lax.iota(jnp.int32, _L)
    idx_dst = [(iota + _L * m) * _CH for m in range(_HIDDEN // _L)]

    def gather(c, p):
        return pltpu.make_async_copy(table_hbm.at[idx_v.at[c]], buf[p], gsem[p])

    def drain(p, sem):
        pltpu.make_async_copy(table_hbm.at[pl.ds(0, _CH)], buf[p], sem).wait()

    def transpose(p):
        @plsc.parallel_loop(0, _CH, unroll=8)
        def _(r):
            for m in range(_HIDDEN // _L):
                plsc.store_scatter(tb[p], [idx_dst[m] + r], buf[p][r, pl.ds(_L * m, _L)])

    def put(c, p):
        s = (crow + c) // _NBC
        bc = lax.rem(crow + c, _NBC)
        for jr in range(_HIDDEN // 8):
            pltpu.make_async_copy(
                tb[p].at[pl.ds(jr * 8 * _CH, 8 * _CH)], out_hbm.at[s, jr, bc], psem[p]
            ).start()

    for p in range(_D):
        gather(p, p).start()

    def step(t, carry):
        for p in range(_D):
            c = _D * t + p
            drain(p, gsem[p])

            @pl.when(t > 0)
            def _():
                drain(p, psem[p])

            transpose(p)
            put(c, p)

            @pl.when(t < _CPW // _D - 1)
            def _():
                gather(c + _D, p).start()

        return carry

    lax.fori_loop(0, _CPW // _D, step, 0)
    for p in range(_D):
        drain(p, psem[p])


def kernel(input_ids, token_embeddings):
    ids2 = input_ids.T.reshape(_TOT // _CH, _CH)
    r = _embed_gather(ids2, token_embeddings)
    r = r.reshape(_SEQ, _HIDDEN // 8, _NBC, 8, _CH)
    return r.transpose(2, 4, 0, 1, 3).reshape(_BATCH, _SEQ, _HIDDEN)

# --- scband reference (transcript-rebuilt; emitter-appended) ---
"""Pipeline reference for scband-embedding-24524263260667 (READ-ONLY COPY).

The authoritative reference and input builder live on the scoring server;
editing this copy changes nothing except your own understanding.
"""

import jax, jax.numpy as jnp
import numpy as np

VOCAB = 1000000
HIDDEN = 64
BATCH = 4096
SEQ = 200
ALPHA = 0.1


def setup_inputs(seed: int = 0) -> dict:
    key = jax.random.key(seed)
    k_ids, k_tab = jax.random.split(key)
    input_ids = jax.random.randint(k_ids, (BATCH, SEQ), 0, VOCAB, dtype=jnp.int64 if jax.config.read('jax_enable_x64') else jnp.int32).astype(jnp.int32)
    token_embeddings = jax.random.normal(k_tab, (VOCAB, HIDDEN), dtype=jnp.float32)
    return {"input_ids": input_ids, "token_embeddings": token_embeddings}


def reference(input_ids, token_embeddings):
    # Faithful translation of Embedding.forward (dropout is defined but unused in forward)
    token_embed = jnp.take(token_embeddings, input_ids, axis=0)
    token_embed = ALPHA * token_embed + (1.0 - ALPHA) * jax.lax.stop_gradient(token_embed)
    return token_embed

if __name__ == "__main__":
    import jax
    _d = setup_inputs()
    print(jax.jit(kernel)(*tuple(_d.values())))

</pallas_src>

<mosaic_0001>
#map = affine_map<(d0, d1) -> (0, 0)>
#map1 = affine_map<(d0, d1) -> (0, 0, 0, 0)>
module attributes {stable_mosaic.version = 14 : i64} {
  func.func @_embed_gather(%arg0: i32, %arg1: i32, %arg2: memref<6400x128xi32, #tpu.memory_space<hbm>>, %arg3: memref<1000000x64xf32, #tpu.memory_space<hbm>>, %arg4: memref<200x8x32x1024xf32, #tpu.memory_space<hbm>>, %arg5: memref<200x128xi32, #tpu.memory_space<vmem>>, %arg6: memref<128x64xf32, #tpu.memory_space<vmem>>, %arg7: memref<128x64xf32, #tpu.memory_space<vmem>>, %arg8: memref<128x64xf32, #tpu.memory_space<vmem>>, %arg9: memref<128x64xf32, #tpu.memory_space<vmem>>, %arg10: memref<8192xf32, #tpu.memory_space<vmem>>, %arg11: memref<8192xf32, #tpu.memory_space<vmem>>, %arg12: memref<8192xf32, #tpu.memory_space<vmem>>, %arg13: memref<8192xf32, #tpu.memory_space<vmem>>, %arg14: memref<!tpu.dma_semaphore, #tpu.memory_space<semaphore_mem>>, %arg15: memref<!tpu.dma_semaphore, #tpu.memory_space<semaphore_mem>>, %arg16: memref<!tpu.dma_semaphore, #tpu.memory_space<semaphore_mem>>, %arg17: memref<!tpu.dma_semaphore, #tpu.memory_space<semaphore_mem>>, %arg18: memref<!tpu.dma_semaphore, #tpu.memory_space<semaphore_mem>>, %arg19: memref<!tpu.dma_semaphore, #tpu.memory_space<semaphore_mem>>, %arg20: memref<!tpu.dma_semaphore, #tpu.memory_space<semaphore_mem>>, %arg21: memref<!tpu.dma_semaphore, #tpu.memory_space<semaphore_mem>>) attributes {dimension_semantics = [#tpu.dimension_semantics<core_parallel>, #tpu.dimension_semantics<subcore_parallel>], iteration_bounds = array<i64: 2, 16>, scalar_prefetch = 0 : i64, scratch_operands = 17 : i64, tpu.core_type = #tpu.core_type<sc_vector_subcore>, window_params = [{transform_indices = #map}, {transform_indices = #map}, {transform_indices = #map1}]} {
    %mul3A = arith.constant 2 : i32
    %mul3A_0 = arith.muli %arg1, %mul3A : i32
    %add3A = arith.addi %mul3A_0, %arg0 : i32
    %mul3A_1 = arith.constant 200 : i32
    %mul3A_2 = arith.muli %add3A, %mul3A_1 : i32
    "tpu.region"() ({
      %run_scoped3A = tpu.sem_alloc : memref<!tpu.dma_semaphore, #tpu.memory_space<semaphore_mem>>
      %dma_start3A_82 = arith.constant 0 : i32
      %dma_start3A_83 = tpu.memref_slice %arg2[%mul3A_2, %dma_start3A_82] : memref<6400x128xi32, #tpu.memory_space<hbm>> -> memref<200x128xi32, #tpu.memory_space<hbm>>
      %dma_start3A_84 = arith.constant 0 : i32
      %dma_start3A_85 = tpu.memref_slice %arg2[%mul3A_2, %dma_start3A_84] : memref<6400x128xi32, #tpu.memory_space<hbm>> -> memref<200x128xi32, #tpu.memory_space<hbm>>
      tpu.enqueue_dma source(%dma_start3A_85 : memref<200x128xi32, #tpu.memory_space<hbm>>) target(%arg5 : memref<200x128xi32, #tpu.memory_space<vmem>>) target_semaphore(%run_scoped3A : memref<!tpu.dma_semaphore, #tpu.memory_space<semaphore_mem>>)
      %dma_wait3A_86 = arith.constant 0 : i32
      %dma_wait3A_87 = tpu.memref_slice %arg2[%mul3A_2, %dma_wait3A_86] : memref<6400x128xi32, #tpu.memory_space<hbm>> -> memref<200x128xi32, #tpu.memory_space<hbm>>
      %dma_wait3A_88 = arith.constant 0 : i32
      %dma_wait3A_89 = tpu.memref_slice %arg2[%mul3A_2, %dma_wait3A_88] : memref<6400x128xi32, #tpu.memory_space<hbm>> -> memref<200x128xi32, #tpu.memory_space<hbm>>
      tpu.wait_dma2 semaphore(%run_scoped3A : memref<!tpu.dma_semaphore, #tpu.memory_space<semaphore_mem>>) src(%dma_wait3A_89 : memref<200x128xi32, #tpu.memory_space<hbm>>) dst(%arg5 : memref<200x128xi32, #tpu.memory_space<vmem>>)
      tpu.yield
    }) : () -> ()
    %iota3A = tpu.iota {dimensions = array<i32: 0>} : vector<16xi32>
    %add3A_3 = arith.constant 0 : i32
    %add3A_4 = vector.broadcast %add3A_3 : i32 to vector<16xi32>
    %add3A_5 = arith.addi %iota3A, %add3A_4 : vector<16xi32>
    %mul3A_6 = arith.constant 128 : i32
    %mul3A_7 = vector.broadcast %mul3A_6 : i32 to vector<16xi32>
    %mul3A_8 = arith.muli %add3A_5, %mul3A_7 : vector<16xi32>
    %add3A_9 = arith.constant 16 : i32
    %add3A_10 = vector.broadcast %add3A_9 : i32 to vector<16xi32>
    %add3A_11 = arith.addi %iota3A, %add3A_10 : vector<16xi32>
    %mul3A_12 = arith.constant 128 : i32
    %mul3A_13 = vector.broadcast %mul3A_12 : i32 to vector<16xi32>
    %mul3A_14 = arith.muli %add3A_11, %mul3A_13 : vector<16xi32>
    %add3A_15 = arith.constant 32 : i32
    %add3A_16 = vector.broadcast %add3A_15 : i32 to vector<16xi32>
    %add3A_17 = arith.addi %iota3A, %add3A_16 : vector<16xi32>
    %mul3A_18 = arith.constant 128 : i32
    %mul3A_19 = vector.broadcast %mul3A_18 : i32 to vector<16xi32>
    %mul3A_20 = arith.muli %add3A_17, %mul3A_19 : vector<16xi32>
    %add3A_21 = arith.constant 48 : i32
    %add3A_22 = vector.broadcast %add3A_21 : i32 to vector<16xi32>
    %add3A_23 = arith.addi %iota3A, %add3A_22 : vector<16xi32>
    %mul3A_24 = arith.constant 128 : i32
    %mul3A_25 = vector.broadcast %mul3A_24 : i32 to vector<16xi32>
    %mul3A_26 = arith.muli %add3A_23, %mul3A_25 : vector<16xi32>
    %dma_start3A = arith.constant 0 : i32
    %dma_start3A_27 = arith.constant 0 : i32
    %dma_start3A_28 = tpu.memref_slice %arg5[%dma_start3A, %dma_start3A_27] : memref<200x128xi32, #tpu.memory_space<vmem>> -> memref<1x128xi32, #tpu.memory_space<vmem>>
    %dma_start3A_29 = tpu.memref_squeeze %dma_start3A_28 : memref<1x128xi32, #tpu.memory_space<vmem>> -> memref<128xi32, #tpu.memory_space<vmem>>
    %dma_start3A_30 = arith.constant 0 : i32
    %dma_start3A_31 = arith.constant 0 : i32
    %dma_start3A_32 = tpu.memref_slice %arg3[%dma_start3A_30, %dma_start3A_31] : memref<1000000x64xf32, #tpu.memory_space<hbm>> -> memref<1000000x64xf32, #tpu.memory_space<hbm>>
    tpu.enqueue_indirect_dma source(%dma_start3A_32 : memref<1000000x64xf32, #tpu.memory_space<hbm>>) target(%arg6 : memref<128x64xf32, #tpu.memory_space<vmem>>) offsets(%dma_start3A_29 : memref<128xi32, #tpu.memory_space<vmem>>) semaphore(%arg14 : memref<!tpu.dma_semaphore, #tpu.memory_space<semaphore_mem>>)
    %dma_start3A_33 = arith.constant 1 : i32
    %dma_start3A_34 = arith.constant 0 : i32
    %dma_start3A_35 = tpu.memref_slice %arg5[%dma_start3A_33, %dma_start3A_34] : memref<200x128xi32, #tpu.memory_space<vmem>> -> memref<1x128xi32, #tpu.memory_space<vmem>>
    %dma_start3A_36 = tpu.memref_squeeze %dma_start3A_35 : memref<1x128xi32, #tpu.memory_space<vmem>> -> memref<128xi32, #tpu.memory_space<vmem>>
    %dma_start3A_37 = arith.constant 0 : i32
    %dma_start3A_38 = arith.constant 0 : i32
    %dma_start3A_39 = tpu.memref_slice %arg3[%dma_start3A_37, %dma_start3A_38] : memref<1000000x64xf32, #tpu.memory_space<hbm>> -> memref<1000000x64xf32, #tpu.memory_space<hbm>>
    tpu.enqueue_indirect_dma source(%dma_start3A_39 : memref<1000000x64xf32, #tpu.memory_space<hbm>>) target(%arg7 : memref<128x64xf32, #tpu.memory_space<vmem>>) offsets(%dma_start3A_36 : memref<128xi32, #tpu.memory_space<vmem>>) semaphore(%arg15 : memref<!tpu.dma_semaphore, #tpu.memory_space<semaphore_mem>>)
    %dma_start3A_40 = arith.constant 2 : i32
    %dma_start3A_41 = arith.constant 0 : i32
    %dma_start3A_42 = tpu.memref_slice %arg5[%dma_start3A_40, %dma_start3A_41] : memref<200x128xi32, #tpu.memory_space<vmem>> -> memref<1x128xi32, #tpu.memory_space<vmem>>
    %dma_start3A_43 = tpu.memref_squeeze %dma_start3A_42 : memref<1x128xi32, #tpu.memory_space<vmem>> -> memref<128xi32, #tpu.memory_space<vmem>>
    %dma_start3A_44 = arith.constant 0 : i32
    %dma_start3A_45 = arith.constant 0 : i32
    %dma_start3A_46 = tpu.memref_slice %arg3[%dma_start3A_44, %dma_start3A_45] : memref<1000000x64xf32, #tpu.memory_space<hbm>> -> memref<1000000x64xf32, #tpu.memory_space<hbm>>
    tpu.enqueue_indirect_dma source(%dma_start3A_46 : memref<1000000x64xf32, #tpu.memory_space<hbm>>) target(%arg8 : memref<128x64xf32, #tpu.memory_space<vmem>>) offsets(%dma_start3A_43 : memref<128xi32, #tpu.memory_space<vmem>>) semaphore(%arg16 : memref<!tpu.dma_semaphore, #tpu.memory_space<semaphore_mem>>)
    %dma_start3A_47 = arith.constant 3 : i32
    %dma_start3A_48 = arith.constant 0 : i32
    %dma_start3A_49 = tpu.memref_slice %arg5[%dma_start3A_47, %dma_start3A_48] : memref<200x128xi32, #tpu.memory_space<vmem>> -> memref<1x128xi32, #tpu.memory_space<vmem>>
    %dma_start3A_50 = tpu.memref_squeeze %dma_start3A_49 : memref<1x128xi32, #tpu.memory_space<vmem>> -> memref<128xi32, #tpu.memory_space<vmem>>
    %dma_start3A_51 = arith.constant 0 : i32
    %dma_start3A_52 = arith.constant 0 : i32
    %dma_start3A_53 = tpu.memref_slice %arg3[%dma_start3A_51, %dma_start3A_52] : memref<1000000x64xf32, #tpu.memory_space<hbm>> -> memref<1000000x64xf32, #tpu.memory_space<hbm>>
    tpu.enqueue_indirect_dma source(%dma_start3A_53 : memref<1000000x64xf32, #tpu.memory_space<hbm>>) target(%arg9 : memref<128x64xf32, #tpu.memory_space<vmem>>) offsets(%dma_start3A_50 : memref<128xi32, #tpu.memory_space<vmem>>) semaphore(%arg17 : memref<!tpu.dma_semaphore, #tpu.memory_space<semaphore_mem>>)
    %scan3A = arith.constant 0 : i32
    %scan3A_54 = arith.constant 0 : i32
    %scan3A_55 = arith.constant 50 : i32
    %scan3A_56 = arith.addi %scan3A_54, %scan3A_55 : i32
    %scan3A_57 = arith.constant 1 : i32
    scf.for %scan3A_82 = %scan3A_54 to %scan3A_56 step %scan3A_57  : i32 {
      %mul3A_83 = arith.constant 4 : i32
      %mul3A_84 = arith.muli %mul3A_83, %scan3A_82 : i32
      %add3A_85 = arith.constant 0 : i32
      %add3A_86 = arith.addi %mul3A_84, %add3A_85 : i32
      %dma_wait3A_87 = arith.constant 0 : i32
      %dma_wait3A_88 = arith.constant 0 : i32
      %dma_wait3A_89 = tpu.memref_slice %arg3[%dma_wait3A_87, %dma_wait3A_88] : memref<1000000x64xf32, #tpu.memory_space<hbm>> -> memref<128x64xf32, #tpu.memory_space<hbm>>
      %dma_wait3A_90 = arith.constant 0 : i32
      %dma_wait3A_91 = arith.constant 0 : i32
      %dma_wait3A_92 = tpu.memref_slice %arg3[%dma_wait3A_90, %dma_wait3A_91] : memref<1000000x64xf32, #tpu.memory_space<hbm>> -> memref<128x64xf32, #tpu.memory_space<hbm>>
      tpu.wait_dma2 semaphore(%arg14 : memref<!tpu.dma_semaphore, #tpu.memory_space<semaphore_mem>>) src(%dma_wait3A_92 : memref<128x64xf32, #tpu.memory_space<hbm>>) dst(%arg6 : memref<128x64xf32, #tpu.memory_space<vmem>>)
      %gt3A = arith.constant 0 : i32
      %gt3A_93 = arith.cmpi sgt, %scan3A_82, %gt3A : i32
      %convert_element_type3A = arith.extui %gt3A_93 : i1 to i32
      %cond3A = arith.constant 0 : i32
      %cond3A_94 = arith.cmpi ne, %convert_element_type3A, %cond3A : i32
      scf.if %cond3A_94 {
        %dma_wait3A_626 = arith.constant 0 : i32
        %dma_wait3A_627 = arith.constant 0 : i32
        %dma_wait3A_628 = tpu.memref_slice %arg3[%dma_wait3A_626, %dma_wait3A_627] : memref<1000000x64xf32, #tpu.memory_space<hbm>> -> memref<128x64xf32, #tpu.memory_space<hbm>>
        %dma_wait3A_629 = arith.constant 0 : i32
        %dma_wait3A_630 = arith.constant 0 : i32
        %dma_wait3A_631 = tpu.memref_slice %arg3[%dma_wait3A_629, %dma_wait3A_630] : memref<1000000x64xf32, #tpu.memory_space<hbm>> -> memref<128x64xf32, #tpu.memory_space<hbm>>
        tpu.wait_dma2 semaphore(%arg18 : memref<!tpu.dma_semaphore, #tpu.memory_space<semaphore_mem>>) src(%dma_wait3A_631 : memref<128x64xf32, #tpu.memory_space<hbm>>) dst(%arg6 : memref<128x64xf32, #tpu.memory_space<vmem>>)
      } else {
      }
      %parallel_loop3A = arith.constant 0 : i32
      %parallel_loop3A_95 = arith.constant 128 : i32
      %parallel_loop3A_96 = arith.constant 1 : i32
      scf.for %parallel_loop3A_626 = %parallel_loop3A to %parallel_loop3A_95 step %parallel_loop3A_96  : i32 {
        %parallel_loop3A_627 = vector.broadcast %parallel_loop3A_626 : i32 to vector<16xi32>
        %parallel_loop3A_628 = arith.addi %mul3A_8, %parallel_loop3A_627 : vector<16xi32>
        %parallel_loop3A_629 = arith.index_cast %parallel_loop3A_626 : i32 to index
        %parallel_loop3A_630 = arith.constant 0 : index
        %parallel_loop3A_631 = tpu.vector_load %arg6[%parallel_loop3A_629, %parallel_loop3A_630] {strides = array<i32>} : memref<128x64xf32, #tpu.memory_space<vmem>>, vector<16xf32>,
        tpu.vector_store_idx %arg10[%parallel_loop3A_628], %parallel_loop3A_631 : memref<8192xf32, #tpu.memory_space<vmem>>[vector<16xi32>], vector<16xf32>,
        %parallel_loop3A_632 = vector.broadcast %parallel_loop3A_626 : i32 to vector<16xi32>
        %parallel_loop3A_633 = arith.addi %mul3A_14, %parallel_loop3A_632 : vector<16xi32>
        %parallel_loop3A_634 = arith.index_cast %parallel_loop3A_626 : i32 to index
        %parallel_loop3A_635 = arith.constant 16 : index
        %parallel_loop3A_636 = tpu.vector_load %arg6[%parallel_loop3A_634, %parallel_loop3A_635] {strides = array<i32>} : memref<128x64xf32, #tpu.memory_space<vmem>>, vector<16xf32>,
        tpu.vector_store_idx %arg10[%parallel_loop3A_633], %parallel_loop3A_636 : memref<8192xf32, #tpu.memory_space<vmem>>[vector<16xi32>], vector<16xf32>,
        %parallel_loop3A_637 = vector.broadcast %parallel_loop3A_626 : i32 to vector<16xi32>
        %parallel_loop3A_638 = arith.addi %mul3A_20, %parallel_loop3A_637 : vector<16xi32>
        %parallel_loop3A_639 = arith.index_cast %parallel_loop3A_626 : i32 to index
        %parallel_loop3A_640 = arith.constant 32 : index
        %parallel_loop3A_641 = tpu.vector_load %arg6[%parallel_loop3A_639, %parallel_loop3A_640] {strides = array<i32>} : memref<128x64xf32, #tpu.memory_space<vmem>>, vector<16xf32>,
        tpu.vector_store_idx %arg10[%parallel_loop3A_638], %parallel_loop3A_641 : memref<8192xf32, #tpu.memory_space<vmem>>[vector<16xi32>], vector<16xf32>,
        %parallel_loop3A_642 = vector.broadcast %parallel_loop3A_626 : i32 to vector<16xi32>
        %parallel_loop3A_643 = arith.addi %mul3A_26, %parallel_loop3A_642 : vector<16xi32>
        %parallel_loop3A_644 = arith.index_cast %parallel_loop3A_626 : i32 to index
        %parallel_loop3A_645 = arith.constant 48 : index
        %parallel_loop3A_646 = tpu.vector_load %arg6[%parallel_loop3A_644, %parallel_loop3A_645] {strides = array<i32>} : memref<128x64xf32, #tpu.memory_space<vmem>>, vector<16xf32>,
        tpu.vector_store_idx %arg10[%parallel_loop3A_643], %parallel_loop3A_646 : memref<8192xf32, #tpu.memory_space<vmem>>[vector<16xi32>], vector<16xf32>,
      } {sc.loop_unroll_factor = 8 : i64, sc.parallel_access}
      %add3A_97 = arith.addi %mul3A_2, %add3A_86 : i32
      %jit3A = arith.constant 32 : i32
      %div3A = arith.divsi %add3A_97, %jit3A : i32
      %sign3A = arith.constant 0 : i32
      %sign3A_98 = arith.cmpi sgt, %add3A_97, %sign3A : i32
      %sign3A_99 = arith.extui %sign3A_98 : i1 to i32
      %sign3A_100 = arith.constant 0 : i32
      %sign3A_101 = arith.cmpi slt, %add3A_97, %sign3A_100 : i32
      %sign3A_102 = arith.extui %sign3A_101 : i1 to i32
      %sign3A_103 = arith.subi %sign3A_99, %sign3A_102 : i32
      %sign3A_104 = arith.constant 0 : i32
      %sign3A_105 = arith.cmpi sgt, %jit3A, %sign3A_104 : i32
      %sign3A_106 = arith.extui %sign3A_105 : i1 to i32
      %sign3A_107 = arith.constant 0 : i32
      %sign3A_108 = arith.cmpi slt, %jit3A, %sign3A_107 : i32
      %sign3A_109 = arith.extui %sign3A_108 : i1 to i32
      %sign3A_110 = arith.subi %sign3A_106, %sign3A_109 : i32
      %ne3A = arith.cmpi ne, %sign3A_103, %sign3A_110 : i32
      %rem3A = arith.remsi %add3A_97, %jit3A : i32
      %ne3A_111 = arith.constant 0 : i32
      %ne3A_112 = arith.cmpi ne, %rem3A, %ne3A_111 : i32
      %and3A = arith.andi %ne3A, %ne3A_112 : i1
      %sub3A = arith.constant 1 : i32
      %sub3A_113 = arith.subi %div3A, %sub3A : i32
      %select_n3A = arith.select %and3A, %sub3A_113, %div3A : i32
      %add3A_114 = arith.addi %mul3A_2, %add3A_86 : i32
      %rem3A_115 = arith.constant 32 : i32
      %rem3A_116 = arith.remsi %add3A_114, %rem3A_115 : i32
      %dma_start3A_117 = arith.constant 0 : i32
      %dma_start3A_118 = arith.constant 0 : i32
      %dma_start3A_119 = tpu.memref_slice %arg10[%dma_start3A_118] : memref<8192xf32, #tpu.memory_space<vmem>> -> memref<1024xf32, #tpu.memory_space<vmem>>
      %dma_start3A_120 = arith.constant 0 : i32
      %dma_start3A_121 = tpu.memref_slice %arg4[%select_n3A, %dma_start3A_117, %rem3A_116, %dma_start3A_120] : memref<200x8x32x1024xf32, #tpu.memory_space<hbm>> -> memref<1x1x1x1024xf32, #tpu.memory_space<hbm>>
      %dma_start3A_122 = tpu.memref_squeeze %dma_start3A_121 : memref<1x1x1x1024xf32, #tpu.memory_space<hbm>> -> memref<1024xf32, #tpu.memory_space<hbm>>
      %dma_start3A_123 = arith.constant 0 : i32
      %dma_start3A_124 = tpu.memref_slice %arg4[%select_n3A, %dma_start3A_117, %rem3A_116, %dma_start3A_123] : memref<200x8x32x1024xf32, #tpu.memory_space<hbm>> -> memref<1x1x1x1024xf32, #tpu.memory_space<hbm>>
      %dma_start3A_125 = tpu.memref_squeeze %dma_start3A_124 : memref<1x1x1x1024xf32, #tpu.memory_space<hbm>> -> memref<1024xf32, #tpu.memory_space<hbm>>
      %dma_start3A_126 = arith.constant 0 : i32
      %dma_start3A_127 = tpu.memref_slice %arg10[%dma_start3A_126] : memref<8192xf32, #tpu.memory_space<vmem>> -> memref<1024xf32, #tpu.memory_space<vmem>>
      tpu.enqueue_dma source(%dma_start3A_127 : memref<1024xf32, #tpu.memory_space<vmem>>) target(%dma_start3A_125 : memref<1024xf32, #tpu.memory_space<hbm>>) target_semaphore(%arg18 : memref<!tpu.dma_semaphore, #tpu.memory_space<semaphore_mem>>)
      %dma_start3A_128 = arith.constant 1 : i32
      %dma_start3A_129 = arith.constant 1024 : i32
      %dma_start3A_130 = tpu.memref_slice %arg10[%dma_start3A_129] : memref<8192xf32, #tpu.memory_space<vmem>> -> memref<1024xf32, #tpu.memory_space<vmem>>
      %dma_start3A_131 = arith.constant 0 : i32
      %dma_start3A_132 = tpu.memref_slice %arg4[%select_n3A, %dma_start3A_128, %rem3A_116, %dma_start3A_131] : memref<200x8x32x1024xf32, #tpu.memory_space<hbm>> -> memref<1x1x1x1024xf32, #tpu.memory_space<hbm>>
      %dma_start3A_133 = tpu.memref_squeeze %dma_start3A_132 : memref<1x1x1x1024xf32, #tpu.memory_space<hbm>> -> memref<1024xf32, #tpu.memory_space<hbm>>
      %dma_start3A_134 = arith.constant 0 : i32
      %dma_start3A_135 = tpu.memref_slice %arg4[%select_n3A, %dma_start3A_128, %rem3A_116, %dma_start3A_134] : memref<200x8x32x1024xf32, #tpu.memory_space<hbm>> -> memref<1x1x1x1024xf32, #tpu.memory_space<hbm>>
      %dma_start3A_136 = tpu.memref_squeeze %dma_start3A_135 : memref<1x1x1x1024xf32, #tpu.memory_space<hbm>> -> memref<1024xf32, #tpu.memory_space<hbm>>
      %dma_start3A_137 = arith.constant 1024 : i32
      %dma_start3A_138 = tpu.memref_slice %arg10[%dma_start3A_137] : memref<8192xf32, #tpu.memory_space<vmem>> -> memref<1024xf32, #tpu.memory_space<vmem>>
      tpu.enqueue_dma source(%dma_start3A_138 : memref<1024xf32, #tpu.memory_space<vmem>>) target(%dma_start3A_136 : memref<1024xf32, #tpu.memory_space<hbm>>) target_semaphore(%arg18 : memref<!tpu.dma_semaphore, #tpu.memory_space<semaphore_mem>>)
      %dma_start3A_139 = arith.constant 2 : i32
      %dma_start3A_140 = arith.constant 2048 : i32
      %dma_start3A_141 = tpu.memref_slice %arg10[%dma_start3A_140] : memref<8192xf32, #tpu.memory_space<vmem>> -> memref<1024xf32, #tpu.memory_space<vmem>>
      %dma_start3A_142 = arith.constant 0 : i32
      %dma_start3A_143 = tpu.memref_slice %arg4[%select_n3A, %dma_start3A_139, %rem3A_116, %dma_start3A_142] : memref<200x8x32x1024xf32, #tpu.memory_space<hbm>> -> memref<1x1x1x1024xf32, #tpu.memory_space<hbm>>
      %dma_start3A_144 = tpu.memref_squeeze %dma_start3A_143 : memref<1x1x1x1024xf32, #tpu.memory_space<hbm>> -> memref<1024xf32, #tpu.memory_space<hbm>>
      %dma_start3A_145 = arith.constant 0 : i32
      %dma_start3A_146 = tpu.memref_slice %arg4[%select_n3A, %dma_start3A_139, %rem3A_116, %dma_start3A_145] : memref<200x8x32x1024xf32, #tpu.memory_space<hbm>> -> memref<1x1x1x1024xf32, #tpu.memory_space<hbm>>
      %dma_start3A_147 = tpu.memref_squeeze %dma_start3A_146 : memref<1x1x1x1024xf32, #tpu.memory_space<hbm>> -> memref<1024xf32, #tpu.memory_space<hbm>>
      %dma_start3A_148 = arith.constant 2048 : i32
      %dma_start3A_149 = tpu.memref_slice %arg10[%dma_start3A_148] : memref<8192xf32, #tpu.memory_space<vmem>> -> memref<1024xf32, #tpu.memory_space<vmem>>
      tpu.enqueue_dma source(%dma_start3A_149 : memref<1024xf32, #tpu.memory_space<vmem>>) target(%dma_start3A_147 : memref<1024xf32, #tpu.memory_space<hbm>>) target_semaphore(%arg18 : memref<!tpu.dma_semaphore, #tpu.memory_space<semaphore_mem>>)
      %dma_start3A_150 = arith.constant 3 : i32
      %dma_start3A_151 = arith.constant 3072 : i32
      %dma_start3A_152 = tpu.memref_slice %arg10[%dma_start3A_151] : memref<8192xf32, #tpu.memory_space<vmem>> -> memref<1024xf32, #tpu.memory_space<vmem>>
      %dma_start3A_153 = arith.constant 0 : i32
      %dma_start3A_154 = tpu.memref_slice %arg4[%select_n3A, %dma_start3A_150, %rem3A_116, %dma_start3A_153] : memref<200x8x32x1024xf32, #tpu.memory_space<hbm>> -> memref<1x1x1x1024xf32, #tpu.memory_space<hbm>>
      %dma_start3A_155 = tpu.memref_squeeze %dma_start3A_154 : memref<1x1x1x1024xf32, #tpu.memory_space<hbm>> -> memref<1024xf32, #tpu.memory_space<hbm>>
      %dma_start3A_156 = arith.constant 0 : i32
      %dma_start3A_157 = tpu.memref_slice %arg4[%select_n3A, %dma_start3A_150, %rem3A_116, %dma_start3A_156] : memref<200x8x32x1024xf32, #tpu.memory_space<hbm>> -> memref<1x1x1x1024xf32, #tpu.memory_space<hbm>>
      %dma_start3A_158 = tpu.memref_squeeze %dma_start3A_157 : memref<1x1x1x1024xf32, #tpu.memory_space<hbm>> -> memref<1024xf32, #tpu.memory_space<hbm>>
      %dma_start3A_159 = arith.constant 3072 : i32
      %dma_start3A_160 = tpu.memref_slice %arg10[%dma_start3A_159] : memref<8192xf32, #tpu.memory_space<vmem>> -> memref<1024xf32, #tpu.memory_space<vmem>>
      tpu.enqueue_dma source(%dma_start3A_160 : memref<1024xf32, #tpu.memory_space<vmem>>) target(%dma_start3A_158 : memref<1024xf32, #tpu.memory_space<hbm>>) target_semaphore(%arg18 : memref<!tpu.dma_semaphore, #tpu.memory_space<semaphore_mem>>)
      %dma_start3A_161 = arith.constant 4 : i32
      %dma_start3A_162 = arith.constant 4096 : i32
      %dma_start3A_163 = tpu.memref_slice %arg10[%dma_start3A_162] : memref<8192xf32, #tpu.memory_space<vmem>> -> memref<1024xf32, #tpu.memory_space<vmem>>
      %dma_start3A_164 = arith.constant 0 : i32
      %dma_start3A_165 = tpu.memref_slice %arg4[%select_n3A, %dma_start3A_161, %rem3A_116, %dma_start3A_164] : memref<200x8x32x1024xf32, #tpu.memory_space<hbm>> -> memref<1x1x1x1024xf32, #tpu.memory_space<hbm>>
      %dma_start3A_166 = tpu.memref_squeeze %dma_start3A_165 : memref<1x1x1x1024xf32, #tpu.memory_space<hbm>> -> memref<1024xf32, #tpu.memory_space<hbm>>
      %dma_start3A_167 = arith.constant 0 : i32
      %dma_start3A_168 = tpu.memref_slice %arg4[%select_n3A, %dma_start3A_161, %rem3A_116, %dma_start3A_167] : memref<200x8x32x1024xf32, #tpu.memory_space<hbm>> -> memref<1x1x1x1024xf32, #tpu.memory_space<hbm>>
      %dma_start3A_169 = tpu.memref_squeeze %dma_start3A_168 : memref<1x1x1x1024xf32, #tpu.memory_space<hbm>> -> memref<1024xf32, #tpu.memory_space<hbm>>
      %dma_start3A_170 = arith.constant 4096 : i32
      %dma_start3A_171 = tpu.memref_slice %arg10[%dma_start3A_170] : memref<8192xf32, #tpu.memory_space<vmem>> -> memref<1024xf32, #tpu.memory_space<vmem>>
      tpu.enqueue_dma source(%dma_start3A_171 : memref<1024xf32, #tpu.memory_space<vmem>>) target(%dma_start3A_169 : memref<1024xf32, #tpu.memory_space<hbm>>) target_semaphore(%arg18 : memref<!tpu.dma_semaphore, #tpu.memory_space<semaphore_mem>>)
      %dma_start3A_172 = arith.constant 5 : i32
      %dma_start3A_173 = arith.constant 5120 : i32
      %dma_start3A_174 = tpu.memref_slice %arg10[%dma_start3A_173] : memref<8192xf32, #tpu.memory_space<vmem>> -> memref<1024xf32, #tpu.memory_space<vmem>>
      %dma_start3A_175 = arith.constant 0 : i32
      %dma_start3A_176 = tpu.memref_slice %arg4[%select_n3A, %dma_start3A_172, %rem3A_116, %dma_start3A_175] : memref<200x8x32x1024xf32, #tpu.memory_space<hbm>> -> memref<1x1x1x1024xf32, #tpu.memory_space<hbm>>
      %dma_start3A_177 = tpu.memref_squeeze %dma_start3A_176 : memref<1x1x1x1024xf32, #tpu.memory_space<hbm>> -> memref<1024xf32, #tpu.memory_space<hbm>>
      %dma_start3A_178 = arith.constant 0 : i32
      %dma_start3A_179 = tpu.memref_slice %arg4[%select_n3A, %dma_start3A_172, %rem3A_116, %dma_start3A_178] : memref<200x8x32x1024xf32, #tpu.memory_space<hbm>> -> memref<1x1x1x1024xf32, #tpu.memory_space<hbm>>
      %dma_start3A_180 = tpu.memref_squeeze %dma_start3A_179 : memref<1x1x1x1024xf32, #tpu.memory_space<hbm>> -> memref<1024xf32, #tpu.memory_space<hbm>>
      %dma_start3A_181 = arith.constant 5120 : i32
      %dma_start3A_182 = tpu.memref_slice %arg10[%dma_start3A_181] : memref<8192xf32, #tpu.memory_space<vmem>> -> memref<1024xf32, #tpu.memory_space<vmem>>
      tpu.enqueue_dma source(%dma_start3A_182 : memref<1024xf32, #tpu.memory_space<vmem>>) target(%dma_start3A_180 : memref<1024xf32, #tpu.memory_space<hbm>>) target_semaphore(%arg18 : memref<!tpu.dma_semaphore, #tpu.memory_space<semaphore_mem>>)
      %dma_start3A_183 = arith.constant 6 : i32
      %dma_start3A_184 = arith.constant 6144 : i32
      %dma_start3A_185 = tpu.memref_slice %arg10[%dma_start3A_184] : memref<8192xf32, #tpu.memory_space<vmem>> -> memref<1024xf32, #tpu.memory_space<vmem>>
      %dma_start3A_186 = arith.constant 0 : i32
      %dma_start3A_187 = tpu.memref_slice %arg4[%select_n3A, %dma_start3A_183, %rem3A_116, %dma_start3A_186] : memref<200x8x32x1024xf32, #tpu.memory_space<hbm>> -> memref<1x1x1x1024xf32, #tpu.memory_space<hbm>>
      %dma_start3A_188 = tpu.memref_squeeze %dma_start3A_187 : memref<1x1x1x1024xf32, #tpu.memory_space<hbm>> -> memref<1024xf32, #tpu.memory_space<hbm>>
      %dma_start3A_189 = arith.constant 0 : i32
      %dma_start3A_190 = tpu.memref_slice %arg4[%select_n3A, %dma_start3A_183, %rem3A_116, %dma_start3A_189] : memref<200x8x32x1024xf32, #tpu.memory_space<hbm>> -> memref<1x1x1x1024xf32, #tpu.memory_space<hbm>>
      %dma_start3A_191 = tpu.memref_squeeze %dma_start3A_190 : memref<1x1x1x1024xf32, #tpu.memory_space<hbm>> -> memref<1024xf32, #tpu.memory_space<hbm>>
      %dma_start3A_192 = arith.constant 6144 : i32
      %dma_start3A_193 = tpu.memref_slice %arg10[%dma_start3A_192] : memref<8192xf32, #tpu.memory_space<vmem>> -> memref<1024xf32, #tpu.memory_space<vmem>>
      tpu.enqueue_dma source(%dma_start3A_193 : memref<1024xf32, #tpu.memory_space<vmem>>) target(%dma_start3A_191 : memref<1024xf32, #tpu.memory_space<hbm>>) target_semaphore(%arg18 : memref<!tpu.dma_semaphore, #tpu.memory_space<semaphore_mem>>)
      %dma_start3A_194 = arith.constant 7 : i32
      %dma_start3A_195 = arith.constant 7168 : i32
      %dma_start3A_196 = tpu.memref_slice %arg10[%dma_start3A_195] : memref<8192xf32, #tpu.memory_space<vmem>> -> memref<1024xf32, #tpu.memory_space<vmem>>
      %dma_start3A_197 = arith.constant 0 : i32
      %dma_start3A_198 = tpu.memref_slice %arg4[%select_n3A, %dma_start3A_194, %rem3A_116, %dma_start3A_197] : memref<200x8x32x1024xf32, #tpu.memory_space<hbm>> -> memref<1x1x1x1024xf32, #tpu.memory_space<hbm>>
      %dma_start3A_199 = tpu.memref_squeeze %dma_start3A_198 : memref<1x1x1x1024xf32, #tpu.memory_space<hbm>> -> memref<1024xf32, #tpu.memory_space<hbm>>
      %dma_start3A_200 = arith.constant 0 : i32
      %dma_start3A_201 = tpu.memref_slice %arg4[%select_n3A, %dma_start3A_194, %rem3A_116, %dma_start3A_200] : memref<200x8x32x1024xf32, #tpu.memory_space<hbm>> -> memref<1x1x1x1024xf32, #tpu.memory_space<hbm>>
      %dma_start3A_202 = tpu.memref_squeeze %dma_start3A_201 : memref<1x1x1x1024xf32, #tpu.memory_space<hbm>> -> memref<1024xf32, #tpu.memory_space<hbm>>
      %dma_start3A_203 = arith.constant 7168 : i32
      %dma_start3A_204 = tpu.memref_slice %arg10[%dma_start3A_203] : memref<8192xf32, #tpu.memory_space<vmem>> -> memref<1024xf32, #tpu.memory_space<vmem>>
      tpu.enqueue_dma source(%dma_start3A_204 : memref<1024xf32, #tpu.memory_space<vmem>>) target(%dma_start3A_202 : memref<1024xf32, #tpu.memory_space<hbm>>) target_semaphore(%arg18 : memref<!tpu.dma_semaphore, #tpu.memory_space<semaphore_mem>>)
      %lt3A = arith.constant 49 : i32
      %lt3A_205 = arith.cmpi slt, %scan3A_82, %lt3A : i32
      %convert_element_type3A_206 = arith.extui %lt3A_205 : i1 to i32
      %cond3A_207 = arith.constant 0 : i32
      %cond3A_208 = arith.cmpi ne, %convert_element_type3A_206, %cond3A_207 : i32
      scf.if %cond3A_208 {
        %add3A_626 = arith.constant 4 : i32
        %add3A_627 = arith.addi %add3A_86, %add3A_626 : i32
        %dma_start3A_628 = arith.constant 0 : i32
        %dma_start3A_629 = tpu.memref_slice %arg5[%add3A_627, %dma_start3A_628] : memref<200x128xi32, #tpu.memory_space<vmem>> -> memref<1x128xi32, #tpu.memory_space<vmem>>
        %dma_start3A_630 = tpu.memref_squeeze %dma_start3A_629 : memref<1x128xi32, #tpu.memory_space<vmem>> -> memref<128xi32, #tpu.memory_space<vmem>>
        %dma_start3A_631 = arith.constant 0 : i32
        %dma_start3A_632 = arith.constant 0 : i32
        %dma_start3A_633 = tpu.memref_slice %arg3[%dma_start3A_631, %dma_start3A_632] : memref<1000000x64xf32, #tpu.memory_space<hbm>> -> memref<1000000x64xf32, #tpu.memory_space<hbm>>
        tpu.enqueue_indirect_dma source(%dma_start3A_633 : memref<1000000x64xf32, #tpu.memory_space<hbm>>) target(%arg6 : memref<128x64xf32, #tpu.memory_space<vmem>>) offsets(%dma_start3A_630 : memref<128xi32, #tpu.memory_space<vmem>>) semaphore(%arg14 : memref<!tpu.dma_semaphore, #tpu.memory_space<semaphore_mem>>)
      } else {
      }
      %mul3A_209 = arith.constant 4 : i32
      %mul3A_210 = arith.muli %mul3A_209, %scan3A_82 : i32
      %add3A_211 = arith.constant 1 : i32
      %add3A_212 = arith.addi %mul3A_210, %add3A_211 : i32
      %dma_wait3A_213 = arith.constant 0 : i32
      %dma_wait3A_214 = arith.constant 0 : i32
      %dma_wait3A_215 = tpu.memref_slice %arg3[%dma_wait3A_213, %dma_wait3A_214] : memref<1000000x64xf32, #tpu.memory_space<hbm>> -> memref<128x64xf32, #tpu.memory_space<hbm>>
      %dma_wait3A_216 = arith.constant 0 : i32
      %dma_wait3A_217 = arith.constant 0 : i32
      %dma_wait3A_218 = tpu.memref_slice %arg3[%dma_wait3A_216, %dma_wait3A_217] : memref<1000000x64xf32, #tpu.memory_space<hbm>> -> memref<128x64xf32, #tpu.memory_space<hbm>>
      tpu.wait_dma2 semaphore(%arg15 : memref<!tpu.dma_semaphore, #tpu.memory_space<semaphore_mem>>) src(%dma_wait3A_218 : memref<128x64xf32, #tpu.memory_space<hbm>>) dst(%arg7 : memref<128x64xf32, #tpu.memory_space<vmem>>)
      %gt3A_219 = arith.constant 0 : i32
      %gt3A_220 = arith.cmpi sgt, %scan3A_82, %gt3A_219 : i32
      %convert_element_type3A_221 = arith.extui %gt3A_220 : i1 to i32
      %cond3A_222 = arith.constant 0 : i32
      %cond3A_223 = arith.cmpi ne, %convert_element_type3A_221, %cond3A_222 : i32
      scf.if %cond3A_223 {
        %dma_wait3A_626 = arith.constant 0 : i32
        %dma_wait3A_627 = arith.constant 0 : i32
        %dma_wait3A_628 = tpu.memref_slice %arg3[%dma_wait3A_626, %dma_wait3A_627] : memref<1000000x64xf32, #tpu.memory_space<hbm>> -> memref<128x64xf32, #tpu.memory_space<hbm>>
        %dma_wait3A_629 = arith.constant 0 : i32
        %dma_wait3A_630 = arith.constant 0 : i32
        %dma_wait3A_631 = tpu.memref_slice %arg3[%dma_wait3A_629, %dma_wait3A_630] : memref<1000000x64xf32, #tpu.memory_space<hbm>> -> memref<128x64xf32, #tpu.memory_space<hbm>>
        tpu.wait_dma2 semaphore(%arg19 : memref<!tpu.dma_semaphore, #tpu.memory_space<semaphore_mem>>) src(%dma_wait3A_631 : memref<128x64xf32, #tpu.memory_space<hbm>>) dst(%arg7 : memref<128x64xf32, #tpu.memory_space<vmem>>)
      } else {
      }
      %parallel_loop3A_224 = arith.constant 0 : i32
      %parallel_loop3A_225 = arith.constant 128 : i32
      %parallel_loop3A_226 = arith.constant 1 : i32
      scf.for %parallel_loop3A_626 = %parallel_loop3A_224 to %parallel_loop3A_225 step %parallel_loop3A_226  : i32 {
        %parallel_loop3A_627 = vector.broadcast %parallel_loop3A_626 : i32 to vector<16xi32>
        %parallel_loop3A_628 = arith.addi %mul3A_8, %parallel_loop3A_627 : vector<16xi32>
        %parallel_loop3A_629 = arith.index_cast %parallel_loop3A_626 : i32 to index
        %parallel_loop3A_630 = arith.constant 0 : index
        %parallel_loop3A_631 = tpu.vector_load %arg7[%parallel_loop3A_629, %parallel_loop3A_630] {strides = array<i32>} : memref<128x64xf32, #tpu.memory_space<vmem>>, vector<16xf32>,
        tpu.vector_store_idx %arg11[%parallel_loop3A_628], %parallel_loop3A_631 : memref<8192xf32, #tpu.memory_space<vmem>>[vector<16xi32>], vector<16xf32>,
        %parallel_loop3A_632 = vector.broadcast %parallel_loop3A_626 : i32 to vector<16xi32>
        %parallel_loop3A_633 = arith.addi %mul3A_14, %parallel_loop3A_632 : vector<16xi32>
        %parallel_loop3A_634 = arith.index_cast %parallel_loop3A_626 : i32 to index
        %parallel_loop3A_635 = arith.constant 16 : index
        %parallel_loop3A_636 = tpu.vector_load %arg7[%parallel_loop3A_634, %parallel_loop3A_635] {strides = array<i32>} : memref<128x64xf32, #tpu.memory_space<vmem>>, vector<16xf32>,
        tpu.vector_store_idx %arg11[%parallel_loop3A_633], %parallel_loop3A_636 : memref<8192xf32, #tpu.memory_space<vmem>>[vector<16xi32>], vector<16xf32>,
        %parallel_loop3A_637 = vector.broadcast %parallel_loop3A_626 : i32 to vector<16xi32>
        %parallel_loop3A_638 = arith.addi %mul3A_20, %parallel_loop3A_637 : vector<16xi32>
        %parallel_loop3A_639 = arith.index_cast %parallel_loop3A_626 : i32 to index
        %parallel_loop3A_640 = arith.constant 32 : index
        %parallel_loop3A_641 = tpu.vector_load %arg7[%parallel_loop3A_639, %parallel_loop3A_640] {strides = array<i32>} : memref<128x64xf32, #tpu.memory_space<vmem>>, vector<16xf32>,
        tpu.vector_store_idx %arg11[%parallel_loop3A_638], %parallel_loop3A_641 : memref<8192xf32, #tpu.memory_space<vmem>>[vector<16xi32>], vector<16xf32>,
        %parallel_loop3A_642 = vector.broadcast %parallel_loop3A_626 : i32 to vector<16xi32>
        %parallel_loop3A_643 = arith.addi %mul3A_26, %parallel_loop3A_642 : vector<16xi32>
        %parallel_loop3A_644 = arith.index_cast %parallel_loop3A_626 : i32 to index
        %parallel_loop3A_645 = arith.constant 48 : index
        %parallel_loop3A_646 = tpu.vector_load %arg7[%parallel_loop3A_644, %parallel_loop3A_645] {strides = array<i32>} : memref<128x64xf32, #tpu.memory_space<vmem>>, vector<16xf32>,
        tpu.vector_store_idx %arg11[%parallel_loop3A_643], %parallel_loop3A_646 : memref<8192xf32, #tpu.memory_space<vmem>>[vector<16xi32>], vector<16xf32>,
      } {sc.loop_unroll_factor = 8 : i64, sc.parallel_access}
      %add3A_227 = arith.addi %mul3A_2, %add3A_212 : i32
      %jit3A_228 = arith.constant 32 : i32
      %div3A_229 = arith.divsi %add3A_227, %jit3A_228 : i32
      %sign3A_230 = arith.constant 0 : i32
      %sign3A_231 = arith.cmpi sgt, %add3A_227, %sign3A_230 : i32
      %sign3A_232 = arith.extui %sign3A_231 : i1 to i32
      %sign3A_233 = arith.constant 0 : i32
      %sign3A_234 = arith.cmpi slt, %add3A_227, %sign3A_233 : i32
      %sign3A_235 = arith.extui %sign3A_234 : i1 to i32
      %sign3A_236 = arith.subi %sign3A_232, %sign3A_235 : i32
      %sign3A_237 = arith.constant 0 : i32
      %sign3A_238 = arith.cmpi sgt, %jit3A_228, %sign3A_237 : i32
      %sign3A_239 = arith.extui %sign3A_238 : i1 to i32
      %sign3A_240 = arith.constant 0 : i32
      %sign3A_241 = arith.cmpi slt, %jit3A_228, %sign3A_240 : i32
      %sign3A_242 = arith.extui %sign3A_241 : i1 to i32
      %sign3A_243 = arith.subi %sign3A_239, %sign3A_242 : i32
      %ne3A_244 = arith.cmpi ne, %sign3A_236, %sign3A_243 : i32
      %rem3A_245 = arith.remsi %add3A_227, %jit3A_228 : i32
      %ne3A_246 = arith.constant 0 : i32
      %ne3A_247 = arith.cmpi ne, %rem3A_245, %ne3A_246 : i32
      %and3A_248 = arith.andi %ne3A_244, %ne3A_247 : i1
      %sub3A_249 = arith.constant 1 : i32
      %sub3A_250 = arith.subi %div3A_229, %sub3A_249 : i32
      %select_n3A_251 = arith.select %and3A_248, %sub3A_250, %div3A_229 : i32
      %add3A_252 = arith.addi %mul3A_2, %add3A_212 : i32
      %rem3A_253 = arith.constant 32 : i32
      %rem3A_254 = arith.remsi %add3A_252, %rem3A_253 : i32
      %dma_start3A_255 = arith.constant 0 : i32
      %dma_start3A_256 = arith.constant 0 : i32
      %dma_start3A_257 = tpu.memref_slice %arg11[%dma_start3A_256] : memref<8192xf32, #tpu.memory_space<vmem>> -> memref<1024xf32, #tpu.memory_space<vmem>>
      %dma_start3A_258 = arith.constant 0 : i32
      %dma_start3A_259 = tpu.memref_slice %arg4[%select_n3A_251, %dma_start3A_255, %rem3A_254, %dma_start3A_258] : memref<200x8x32x1024xf32, #tpu.memory_space<hbm>> -> memref<1x1x1x1024xf32, #tpu.memory_space<hbm>>
      %dma_start3A_260 = tpu.memref_squeeze %dma_start3A_259 : memref<1x1x1x1024xf32, #tpu.memory_space<hbm>> -> memref<1024xf32, #tpu.memory_space<hbm>>
      %dma_start3A_261 = arith.constant 0 : i32
      %dma_start3A_262 = tpu.memref_slice %arg4[%select_n3A_251, %dma_start3A_255, %rem3A_254, %dma_start3A_261] : memref<200x8x32x1024xf32, #tpu.memory_space<hbm>> -> memref<1x1x1x1024xf32, #tpu.memory_space<hbm>>
      %dma_start3A_263 = tpu.memref_squeeze %dma_start3A_262 : memref<1x1x1x1024xf32, #tpu.memory_space<hbm>> -> memref<1024xf32, #tpu.memory_space<hbm>>
      %dma_start3A_264 = arith.constant 0 : i32
      %dma_start3A_265 = tpu.memref_slice %arg11[%dma_start3A_264] : memref<8192xf32, #tpu.memory_space<vmem>> -> memref<1024xf32, #tpu.memory_space<vmem>>
      tpu.enqueue_dma source(%dma_start3A_265 : memref<1024xf32, #tpu.memory_space<vmem>>) target(%dma_start3A_263 : memref<1024xf32, #tpu.memory_space<hbm>>) target_semaphore(%arg19 : memref<!tpu.dma_semaphore, #tpu.memory_space<semaphore_mem>>)
      %dma_start3A_266 = arith.constant 1 : i32
      %dma_start3A_267 = arith.constant 1024 : i32
      %dma_start3A_268 = tpu.memref_slice %arg11[%dma_start3A_267] : memref<8192xf32, #tpu.memory_space<vmem>> -> memref<1024xf32, #tpu.memory_space<vmem>>
      %dma_start3A_269 = arith.constant 0 : i32
      %dma_start3A_270 = tpu.memref_slice %arg4[%select_n3A_251, %dma_start3A_266, %rem3A_254, %dma_start3A_269] : memref<200x8x32x1024xf32, #tpu.memory_space<hbm>> -> memref<1x1x1x1024xf32, #tpu.memory_space<hbm>>
      %dma_start3A_271 = tpu.memref_squeeze %dma_start3A_270 : memref<1x1x1x1024xf32, #tpu.memory_space<hbm>> -> memref<1024xf32, #tpu.memory_space<hbm>>
      %dma_start3A_272 = arith.constant 0 : i32
      %dma_start3A_273 = tpu.memref_slice %arg4[%select_n3A_251, %dma_start3A_266, %rem3A_254, %dma_start3A_272] : memref<200x8x32x1024xf32, #tpu.memory_space<hbm>> -> memref<1x1x1x1024xf32, #tpu.memory_space<hbm>>
      %dma_start3A_274 = tpu.memref_squeeze %dma_start3A_273 : memref<1x1x1x1024xf32, #tpu.memory_space<hbm>> -> memref<1024xf32, #tpu.memory_space<hbm>>
      %dma_start3A_275 = arith.constant 1024 : i32
      %dma_start3A_276 = tpu.memref_slice %arg11[%dma_start3A_275] : memref<8192xf32, #tpu.memory_space<vmem>> -> memref<1024xf32, #tpu.memory_space<vmem>>
      tpu.enqueue_dma source(%dma_start3A_276 : memref<1024xf32, #tpu.memory_space<vmem>>) target(%dma_start3A_274 : memref<1024xf32, #tpu.memory_space<hbm>>) target_semaphore(%arg19 : memref<!tpu.dma_semaphore, #tpu.memory_space<semaphore_mem>>)
      %dma_start3A_277 = arith.constant 2 : i32
      %dma_start3A_278 = arith.constant 2048 : i32
      %dma_start3A_279 = tpu.memref_slice %arg11[%dma_start3A_278] : memref<8192xf32, #tpu.memory_space<vmem>> -> memref<1024xf32, #tpu.memory_space<vmem>>
      %dma_start3A_280 = arith.constant 0 : i32
      %dma_start3A_281 = tpu.memref_slice %arg4[%select_n3A_251, %dma_start3A_277, %rem3A_254, %dma_start3A_280] : memref<200x8x32x1024xf32, #tpu.memory_space<hbm>> -> memref<1x1x1x1024xf32, #tpu.memory_space<hbm>>
      %dma_start3A_282 = tpu.memref_squeeze %dma_start3A_281 : memref<1x1x1x1024xf32, #tpu.memory_space<hbm>> -> memref<1024xf32, #tpu.memory_space<hbm>>
      %dma_start3A_283 = arith.constant 0 : i32
      %dma_start3A_284 = tpu.memref_slice %arg4[%select_n3A_251, %dma_start3A_277, %rem3A_254, %dma_start3A_283] : memref<200x8x32x1024xf32, #tpu.memory_space<hbm>> -> memref<1x1x1x1024xf32, #tpu.memory_space<hbm>>
      %dma_start3A_285 = tpu.memref_squeeze %dma_start3A_284 : memref<1x1x1x1024xf32, #tpu.memory_space<hbm>> -> memref<1024xf32, #tpu.memory_space<hbm>>
      %dma_start3A_286 = arith.constant 2048 : i32
      %dma_start3A_287 = tpu.memref_slice %arg11[%dma_start3A_286] : memref<8192xf32, #tpu.memory_space<vmem>> -> memref<1024xf32, #tpu.memory_space<vmem>>
      tpu.enqueue_dma source(%dma_start3A_287 : memref<1024xf32, #tpu.memory_space<vmem>>) target(%dma_start3A_285 : memref<1024xf32, #tpu.memory_space<hbm>>) target_semaphore(%arg19 : memref<!tpu.dma_semaphore, #tpu.memory_space<semaphore_mem>>)
      %dma_start3A_288 = arith.constant 3 : i32
      %dma_start3A_289 = arith.constant 3072 : i32
      %dma_start3A_290 = tpu.memref_slice %arg11[%dma_start3A_289] : memref<8192xf32, #tpu.memory_space<vmem>> -> memref<1024xf32, #tpu.memory_space<vmem>>
      %dma_start3A_291 = arith.constant 0 : i32
      %dma_start3A_292 = tpu.memref_slice %arg4[%select_n3A_251, %dma_start3A_288, %rem3A_254, %dma_start3A_291] : memref<200x8x32x1024xf32, #tpu.memory_space<hbm>> -> memref<1x1x1x1024xf32, #tpu.memory_space<hbm>>
      %dma_start3A_293 = tpu.memref_squeeze %dma_start3A_292 : memref<1x1x1x1024xf32, #tpu.memory_space<hbm>> -> memref<1024xf32, #tpu.memory_space<hbm>>
      %dma_start3A_294 = arith.constant 0 : i32
      %dma_start3A_295 = tpu.memref_slice %arg4[%select_n3A_251, %dma_start3A_288, %rem3A_254, %dma_start3A_294] : memref<200x8x32x1024xf32, #tpu.memory_space<hbm>> -> memref<1x1x1x1024xf32, #tpu.memory_space<hbm>>
      %dma_start3A_296 = tpu.memref_squeeze %dma_start3A_295 : memref<1x1x1x1024xf32, #tpu.memory_space<hbm>> -> memref<1024xf32, #tpu.memory_space<hbm>>
      %dma_start3A_297 = arith.constant 3072 : i32
      %dma_start3A_298 = tpu.memref_slice %arg11[%dma_start3A_297] : memref<8192xf32, #tpu.memory_space<vmem>> -> memref<1024xf32, #tpu.memory_space<vmem>>
      tpu.enqueue_dma source(%dma_start3A_298 : memref<1024xf32, #tpu.memory_space<vmem>>) target(%dma_start3A_296 : memref<1024xf32, #tpu.memory_space<hbm>>) target_semaphore(%arg19 : memref<!tpu.dma_semaphore, #tpu.memory_space<semaphore_mem>>)
      %dma_start3A_299 = arith.constant 4 : i32
      %dma_start3A_300 = arith.constant 4096 : i32
      %dma_start3A_301 = tpu.memref_slice %arg11[%dma_start3A_300] : memref<8192xf32, #tpu.memory_space<vmem>> -> memref<1024xf32, #tpu.memory_space<vmem>>
      %dma_start3A_302 = arith.constant 0 : i32
      %dma_start3A_303 = tpu.memref_slice %arg4[%select_n3A_251, %dma_start3A_299, %rem3A_254, %dma_start3A_302] : memref<200x8x32x1024xf32, #tpu.memory_space<hbm>> -> memref<1x1x1x1024xf32, #tpu.memory_space<hbm>>
      %dma_start3A_304 = tpu.memref_squeeze %dma_start3A_303 : memref<1x1x1x1024xf32, #tpu.memory_space<hbm>> -> memref<1024xf32, #tpu.memory_space<hbm>>
      %dma_start3A_305 = arith.constant 0 : i32
      %dma_start3A_306 = tpu.memref_slice %arg4[%select_n3A_251, %dma_start3A_299, %rem3A_254, %dma_start3A_305] : memref<200x8x32x1024xf32, #tpu.memory_space<hbm>> -> memref<1x1x1x1024xf32, #tpu.memory_space<hbm>>
      %dma_start3A_307 = tpu.memref_squeeze %dma_start3A_306 : memref<1x1x1x1024xf32, #tpu.memory_space<hbm>> -> memref<1024xf32, #tpu.memory_space<hbm>>
      %dma_start3A_308 = arith.constant 4096 : i32
      %dma_start3A_309 = tpu.memref_slice %arg11[%dma_start3A_308] : memref<8192xf32, #tpu.memory_space<vmem>> -> memref<1024xf32, #tpu.memory_space<vmem>>
      tpu.enqueue_dma source(%dma_start3A_309 : memref<1024xf32, #tpu.memory_space<vmem>>) target(%dma_start3A_307 : memref<1024xf32, #tpu.memory_space<hbm>>) target_semaphore(%arg19 : memref<!tpu.dma_semaphore, #tpu.memory_space<semaphore_mem>>)
      %dma_start3A_310 = arith.constant 5 : i32
      %dma_start3A_311 = arith.constant 5120 : i32
      %dma_start3A_312 = tpu.memref_slice %arg11[%dma_start3A_311] : memref<8192xf32, #tpu.memory_space<vmem>> -> memref<1024xf32, #tpu.memory_space<vmem>>
      %dma_start3A_313 = arith.constant 0 : i32
      %dma_start3A_314 = tpu.memref_slice %arg4[%select_n3A_251, %dma_start3A_310, %rem3A_254, %dma_start3A_313] : memref<200x8x32x1024xf32, #tpu.memory_space<hbm>> -> memref<1x1x1x1024xf32, #tpu.memory_space<hbm>>
      %dma_start3A_315 = tpu.memref_squeeze %dma_start3A_314 : memref<1x1x1x1024xf32, #tpu.memory_space<hbm>> -> memref<1024xf32, #tpu.memory_space<hbm>>
      %dma_start3A_316 = arith.constant 0 : i32
      %dma_start3A_317 = tpu.memref_slice %arg4[%select_n3A_251, %dma_start3A_310, %rem3A_254, %dma_start3A_316] : memref<200x8x32x1024xf32, #tpu.memory_space<hbm>> -> memref<1x1x1x1024xf32, #tpu.memory_space<hbm>>
      %dma_start3A_318 = tpu.memref_squeeze %dma_start3A_317 : memref<1x1x1x1024xf32, #tpu.memory_space<hbm>> -> memref<1024xf32, #tpu.memory_space<hbm>>
      %dma_start3A_319 = arith.constant 5120 : i32
      %dma_start3A_320 = tpu.memref_slice %arg11[%dma_start3A_319] : memref<8192xf32, #tpu.memory_space<vmem>> -> memref<1024xf32, #tpu.memory_space<vmem>>
      tpu.enqueue_dma source(%dma_start3A_320 : memref<1024xf32, #tpu.memory_space<vmem>>) target(%dma_start3A_318 : memref<1024xf32, #tpu.memory_space<hbm>>) target_semaphore(%arg19 : memref<!tpu.dma_semaphore, #tpu.memory_space<semaphore_mem>>)
      %dma_start3A_321 = arith.constant 6 : i32
      %dma_start3A_322 = arith.constant 6144 : i32
      %dma_start3A_323 = tpu.memref_slice %arg11[%dma_start3A_322] : memref<8192xf32, #tpu.memory_space<vmem>> -> memref<1024xf32, #tpu.memory_space<vmem>>
      %dma_start3A_324 = arith.constant 0 : i32
      %dma_start3A_325 = tpu.memref_slice %arg4[%select_n3A_251, %dma_start3A_321, %rem3A_254, %dma_start3A_324] : memref<200x8x32x1024xf32, #tpu.memory_space<hbm>> -> memref<1x1x1x1024xf32, #tpu.memory_space<hbm>>
      %dma_start3A_326 = tpu.memref_squeeze %dma_start3A_325 : memref<1x1x1x1024xf32, #tpu.memory_space<hbm>> -> memref<1024xf32, #tpu.memory_space<hbm>>
      %dma_start3A_327 = arith.constant 0 : i32
      %dma_start3A_328 = tpu.memref_slice %arg4[%select_n3A_251, %dma_start3A_321, %rem3A_254, %dma_start3A_327] : memref<200x8x32x1024xf32, #tpu.memory_space<hbm>> -> memref<1x1x1x1024xf32, #tpu.memory_space<hbm>>
      %dma_start3A_329 = tpu.memref_squeeze %dma_start3A_328 : memref<1x1x1x1024xf32, #tpu.memory_space<hbm>> -> memref<1024xf32, #tpu.memory_space<hbm>>
      %dma_start3A_330 = arith.constant 6144 : i32
      %dma_start3A_331 = tpu.memref_slice %arg11[%dma_start3A_330] : memref<8192xf32, #tpu.memory_space<vmem>> -> memref<1024xf32, #tpu.memory_space<vmem>>
      tpu.enqueue_dma source(%dma_start3A_331 : memref<1024xf32, #tpu.memory_space<vmem>>) target(%dma_start3A_329 : memref<1024xf32, #tpu.memory_space<hbm>>) target_semaphore(%arg19 : memref<!tpu.dma_semaphore, #tpu.memory_space<semaphore_mem>>)
      %dma_start3A_332 = arith.constant 7 : i32
      %dma_start3A_333 = arith.constant 7168 : i32
      %dma_start3A_334 = tpu.memref_slice %arg11[%dma_start3A_333] : memref<8192xf32, #tpu.memory_space<vmem>> -> memref<1024xf32, #tpu.memory_space<vmem>>
      %dma_start3A_335 = arith.constant 0 : i32
      %dma_start3A_336 = tpu.memref_slice %arg4[%select_n3A_251, %dma_start3A_332, %rem3A_254, %dma_start3A_335] : memref<200x8x32x1024xf32, #tpu.memory_space<hbm>> -> memref<1x1x1x1024xf32, #tpu.memory_space<hbm>>
      %dma_start3A_337 = tpu.memref_squeeze %dma_start3A_336 : memref<1x1x1x1024xf32, #tpu.memory_space<hbm>> -> memref<1024xf32, #tpu.memory_space<hbm>>
      %dma_start3A_338 = arith.constant 0 : i32
      %dma_start3A_339 = tpu.memref_slice %arg4[%select_n3A_251, %dma_start3A_332, %rem3A_254, %dma_start3A_338] : memref<200x8x32x1024xf32, #tpu.memory_space<hbm>> -> memref<1x1x1x1024xf32, #tpu.memory_space<hbm>>
      %dma_start3A_340 = tpu.memref_squeeze %dma_start3A_339 : memref<1x1x1x1024xf32, #tpu.memory_space<hbm>> -> memref<1024xf32, #tpu.memory_space<hbm>>
      %dma_start3A_341 = arith.constant 7168 : i32
      %dma_start3A_342 = tpu.memref_slice %arg11[%dma_start3A_341] : memref<8192xf32, #tpu.memory_space<vmem>> -> memref<1024xf32, #tpu.memory_space<vmem>>
      tpu.enqueue_dma source(%dma_start3A_342 : memref<1024xf32, #tpu.memory_space<vmem>>) target(%dma_start3A_340 : memref<1024xf32, #tpu.memory_space<hbm>>) target_semaphore(%arg19 : memref<!tpu.dma_semaphore, #tpu.memory_space<semaphore_mem>>)
      %lt3A_343 = arith.constant 49 : i32
      %lt3A_344 = arith.cmpi slt, %scan3A_82, %lt3A_343 : i32
      %convert_element_type3A_345 = arith.extui %lt3A_344 : i1 to i32
      %cond3A_346 = arith.constant 0 : i32
      %cond3A_347 = arith.cmpi ne, %convert_element_type3A_345, %cond3A_346 : i32
      scf.if %cond3A_347 {
        %add3A_626 = arith.constant 4 : i32
        %add3A_627 = arith.addi %add3A_212, %add3A_626 : i32
        %dma_start3A_628 = arith.constant 0 : i32
        %dma_start3A_629 = tpu.memref_slice %arg5[%add3A_627, %dma_start3A_628] : memref<200x128xi32, #tpu.memory_space<vmem>> -> memref<1x128xi32, #tpu.memory_space<vmem>>
        %dma_start3A_630 = tpu.memref_squeeze %dma_start3A_629 : memref<1x128xi32, #tpu.memory_space<vmem>> -> memref<128xi32, #tpu.memory_space<vmem>>
        %dma_start3A_631 = arith.constant 0 : i32
        %dma_start3A_632 = arith.constant 0 : i32
        %dma_start3A_633 = tpu.memref_slice %arg3[%dma_start3A_631, %dma_start3A_632] : memref<1000000x64xf32, #tpu.memory_space<hbm>> -> memref<1000000x64xf32, #tpu.memory_space<hbm>>
        tpu.enqueue_indirect_dma source(%dma_start3A_633 : memref<1000000x64xf32, #tpu.memory_space<hbm>>) target(%arg7 : memref<128x64xf32, #tpu.memory_space<vmem>>) offsets(%dma_start3A_630 : memref<128xi32, #tpu.memory_space<vmem>>) semaphore(%arg15 : memref<!tpu.dma_semaphore, #tpu.memory_space<semaphore_mem>>)
      } else {
      }
      %mul3A_348 = arith.constant 4 : i32
      %mul3A_349 = arith.muli %mul3A_348, %scan3A_82 : i32
      %add3A_350 = arith.constant 2 : i32
      %add3A_351 = arith.addi %mul3A_349, %add3A_350 : i32
      %dma_wait3A_352 = arith.constant 0 : i32
      %dma_wait3A_353 = arith.constant 0 : i32
      %dma_wait3A_354 = tpu.memref_slice %arg3[%dma_wait3A_352, %dma_wait3A_353] : memref<1000000x64xf32, #tpu.memory_space<hbm>> -> memref<128x64xf32, #tpu.memory_space<hbm>>
      %dma_wait3A_355 = arith.constant 0 : i32
      %dma_wait3A_356 = arith.constant 0 : i32
      %dma_wait3A_357 = tpu.memref_slice %arg3[%dma_wait3A_355, %dma_wait3A_356] : memref<1000000x64xf32, #tpu.memory_space<hbm>> -> memref<128x64xf32, #tpu.memory_space<hbm>>
      tpu.wait_dma2 semaphore(%arg16 : memref<!tpu.dma_semaphore, #tpu.memory_space<semaphore_mem>>) src(%dma_wait3A_357 : memref<128x64xf32, #tpu.memory_space<hbm>>) dst(%arg8 : memref<128x64xf32, #tpu.memory_space<vmem>>)
      %gt3A_358 = arith.constant 0 : i32
      %gt3A_359 = arith.cmpi sgt, %scan3A_82, %gt3A_358 : i32
      %convert_element_type3A_360 = arith.extui %gt3A_359 : i1 to i32
      %cond3A_361 = arith.constant 0 : i32
      %cond3A_362 = arith.cmpi ne, %convert_element_type3A_360, %cond3A_361 : i32
      scf.if %cond3A_362 {
        %dma_wait3A_626 = arith.constant 0 : i32
        %dma_wait3A_627 = arith.constant 0 : i32
        %dma_wait3A_628 = tpu.memref_slice %arg3[%dma_wait3A_626, %dma_wait3A_627] : memref<1000000x64xf32, #tpu.memory_space<hbm>> -> memref<128x64xf32, #tpu.memory_space<hbm>>
        %dma_wait3A_629 = arith.constant 0 : i32
        %dma_wait3A_630 = arith.constant 0 : i32
        %dma_wait3A_631 = tpu.memref_slice %arg3[%dma_wait3A_629, %dma_wait3A_630] : memref<1000000x64xf32, #tpu.memory_space<hbm>> -> memref<128x64xf32, #tpu.memory_space<hbm>>
        tpu.wait_dma2 semaphore(%arg20 : memref<!tpu.dma_semaphore, #tpu.memory_space<semaphore_mem>>) src(%dma_wait3A_631 : memref<128x64xf32, #tpu.memory_space<hbm>>) dst(%arg8 : memref<128x64xf32, #tpu.memory_space<vmem>>)
      } else {
      }
      %parallel_loop3A_363 = arith.constant 0 : i32
      %parallel_loop3A_364 = arith.constant 128 : i32
      %parallel_loop3A_365 = arith.constant 1 : i32
      scf.for %parallel_loop3A_626 = %parallel_loop3A_363 to %parallel_loop3A_364 step %parallel_loop3A_365  : i32 {
        %parallel_loop3A_627 = vector.broadcast %parallel_loop3A_626 : i32 to vector<16xi32>
        %parallel_loop3A_628 = arith.addi %mul3A_8, %parallel_loop3A_627 : vector<16xi32>
        %parallel_loop3A_629 = arith.index_cast %parallel_loop3A_626 : i32 to index
        %parallel_loop3A_630 = arith.constant 0 : index
        %parallel_loop3A_631 = tpu.vector_load %arg8[%parallel_loop3A_629, %parallel_loop3A_630] {strides = array<i32>} : memref<128x64xf32, #tpu.memory_space<vmem>>, vector<16xf32>,
        tpu.vector_store_idx %arg12[%parallel_loop3A_628], %parallel_loop3A_631 : memref<8192xf32, #tpu.memory_space<vmem>>[vector<16xi32>], vector<16xf32>,
        %parallel_loop3A_632 = vector.broadcast %parallel_loop3A_626 : i32 to vector<16xi32>
        %parallel_loop3A_633 = arith.addi %mul3A_14, %parallel_loop3A_632 : vector<16xi32>
        %parallel_loop3A_634 = arith.index_cast %parallel_loop3A_626 : i32 to index
        %parallel_loop3A_635 = arith.constant 16 : index
        %parallel_loop3A_636 = tpu.vector_load %arg8[%parallel_loop3A_634, %parallel_loop3A_635] {strides = array<i32>} : memref<128x64xf32, #tpu.memory_space<vmem>>, vector<16xf32>,
        tpu.vector_store_idx %arg12[%parallel_loop3A_633], %parallel_loop3A_636 : memref<8192xf32, #tpu.memory_space<vmem>>[vector<16xi32>], vector<16xf32>,
        %parallel_loop3A_637 = vector.broadcast %parallel_loop3A_626 : i32 to vector<16xi32>
        %parallel_loop3A_638 = arith.addi %mul3A_20, %parallel_loop3A_637 : vector<16xi32>
        %parallel_loop3A_639 = arith.index_cast %parallel_loop3A_626 : i32 to index
        %parallel_loop3A_640 = arith.constant 32 : index
        %parallel_loop3A_641 = tpu.vector_load %arg8[%parallel_loop3A_639, %parallel_loop3A_640] {strides = array<i32>} : memref<128x64xf32, #tpu.memory_space<vmem>>, vector<16xf32>,
        tpu.vector_store_idx %arg12[%parallel_loop3A_638], %parallel_loop3A_641 : memref<8192xf32, #tpu.memory_space<vmem>>[vector<16xi32>], vector<16xf32>,
        %parallel_loop3A_642 = vector.broadcast %parallel_loop3A_626 : i32 to vector<16xi32>
        %parallel_loop3A_643 = arith.addi %mul3A_26, %parallel_loop3A_642 : vector<16xi32>
        %parallel_loop3A_644 = arith.index_cast %parallel_loop3A_626 : i32 to index
        %parallel_loop3A_645 = arith.constant 48 : index
        %parallel_loop3A_646 = tpu.vector_load %arg8[%parallel_loop3A_644, %parallel_loop3A_645] {strides = array<i32>} : memref<128x64xf32, #tpu.memory_space<vmem>>, vector<16xf32>,
        tpu.vector_store_idx %arg12[%parallel_loop3A_643], %parallel_loop3A_646 : memref<8192xf32, #tpu.memory_space<vmem>>[vector<16xi32>], vector<16xf32>,
      } {sc.loop_unroll_factor = 8 : i64, sc.parallel_access}
      %add3A_366 = arith.addi %mul3A_2, %add3A_351 : i32
      %jit3A_367 = arith.constant 32 : i32
      %div3A_368 = arith.divsi %add3A_366, %jit3A_367 : i32
      %sign3A_369 = arith.constant 0 : i32
      %sign3A_370 = arith.cmpi sgt, %add3A_366, %sign3A_369 : i32
      %sign3A_371 = arith.extui %sign3A_370 : i1 to i32
      %sign3A_372 = arith.constant 0 : i32
      %sign3A_373 = arith.cmpi slt, %add3A_366, %sign3A_372 : i32
      %sign3A_374 = arith.extui %sign3A_373 : i1 to i32
      %sign3A_375 = arith.subi %sign3A_371, %sign3A_374 : i32
      %sign3A_376 = arith.constant 0 : i32
      %sign3A_377 = arith.cmpi sgt, %jit3A_367, %sign3A_376 : i32
      %sign3A_378 = arith.extui %sign3A_377 : i1 to i32
      %sign3A_379 = arith.constant 0 : i32
      %sign3A_380 = arith.cmpi slt, %jit3A_367, %sign3A_379 : i32
      %sign3A_381 = arith.extui %sign3A_380 : i1 to i32
      %sign3A_382 = arith.subi %sign3A_378, %sign3A_381 : i32
      %ne3A_383 = arith.cmpi ne, %sign3A_375, %sign3A_382 : i32
      %rem3A_384 = arith.remsi %add3A_366, %jit3A_367 : i32
      %ne3A_385 = arith.constant 0 : i32
      %ne3A_386 = arith.cmpi ne, %rem3A_384, %ne3A_385 : i32
      %and3A_387 = arith.andi %ne3A_383, %ne3A_386 : i1
      %sub3A_388 = arith.constant 1 : i32
      %sub3A_389 = arith.subi %div3A_368, %sub3A_388 : i32
      %select_n3A_390 = arith.select %and3A_387, %sub3A_389, %div3A_368 : i32
      %add3A_391 = arith.addi %mul3A_2, %add3A_351 : i32
      %rem3A_392 = arith.constant 32 : i32
      %rem3A_393 = arith.remsi %add3A_391, %rem3A_392 : i32
      %dma_start3A_394 = arith.constant 0 : i32
      %dma_start3A_395 = arith.constant 0 : i32
      %dma_start3A_396 = tpu.memref_slice %arg12[%dma_start3A_395] : memref<8192xf32, #tpu.memory_space<vmem>> -> memref<1024xf32, #tpu.memory_space<vmem>>
      %dma_start3A_397 = arith.constant 0 : i32
      %dma_start3A_398 = tpu.memref_slice %arg4[%select_n3A_390, %dma_start3A_394, %rem3A_393, %dma_start3A_397] : memref<200x8x32x1024xf32, #tpu.memory_space<hbm>> -> memref<1x1x1x1024xf32, #tpu.memory_space<hbm>>
      %dma_start3A_399 = tpu.memref_squeeze %dma_start3A_398 : memref<1x1x1x1024xf32, #tpu.memory_space<hbm>> -> memref<1024xf32, #tpu.memory_space<hbm>>
      %dma_start3A_400 = arith.constant 0 : i32
      %dma_start3A_401 = tpu.memref_slice %arg4[%select_n3A_390, %dma_start3A_394, %rem3A_393, %dma_start3A_400] : memref<200x8x32x1024xf32, #tpu.memory_space<hbm>> -> memref<1x1x1x1024xf32, #tpu.memory_space<hbm>>
      %dma_start3A_402 = tpu.memref_squeeze %dma_start3A_401 : memref<1x1x1x1024xf32, #tpu.memory_space<hbm>> -> memref<1024xf32, #tpu.memory_space<hbm>>
      %dma_start3A_403 = arith.constant 0 : i32
      %dma_start3A_404 = tpu.memref_slice %arg12[%dma_start3A_403] : memref<8192xf32, #tpu.memory_space<vmem>> -> memref<1024xf32, #tpu.memory_space<vmem>>
      tpu.enqueue_dma source(%dma_start3A_404 : memref<1024xf32, #tpu.memory_space<vmem>>) target(%dma_start3A_402 : memref<1024xf32, #tpu.memory_space<hbm>>) target_semaphore(%arg20 : memref<!tpu.dma_semaphore, #tpu.memory_space<semaphore_mem>>)
      %dma_start3A_405 = arith.constant 1 : i32
      %dma_start3A_406 = arith.constant 1024 : i32
      %dma_start3A_407 = tpu.memref_slice %arg12[%dma_start3A_406] : memref<8192xf32, #tpu.memory_space<vmem>> -> memref<1024xf32, #tpu.memory_space<vmem>>
      %dma_start3A_408 = arith.constant 0 : i32
      %dma_start3A_409 = tpu.memref_slice %arg4[%select_n3A_390, %dma_start3A_405, %rem3A_393, %dma_start3A_408] : memref<200x8x32x1024xf32, #tpu.memory_space<hbm>> -> memref<1x1x1x1024xf32, #tpu.memory_space<hbm>>
      %dma_start3A_410 = tpu.memref_squeeze %dma_start3A_409 : memref<1x1x1x1024xf32, #tpu.memory_space<hbm>> -> memref<1024xf32, #tpu.memory_space<hbm>>
      %dma_start3A_411 = arith.constant 0 : i32
      %dma_start3A_412 = tpu.memref_slice %arg4[%select_n3A_390, %dma_start3A_405, %rem3A_393, %dma_start3A_411] : memref<200x8x32x1024xf32, #tpu.memory_space<hbm>> -> memref<1x1x1x1024xf32, #tpu.memory_space<hbm>>
      %dma_start3A_413 = tpu.memref_squeeze %dma_start3A_412 : memref<1x1x1x1024xf32, #tpu.memory_space<hbm>> -> memref<1024xf32, #tpu.memory_space<hbm>>
      %dma_start3A_414 = arith.constant 1024 : i32
      %dma_start3A_415 = tpu.memref_slice %arg12[%dma_start3A_414] : memref<8192xf32, #tpu.memory_space<vmem>> -> memref<1024xf32, #tpu.memory_space<vmem>>
      tpu.enqueue_dma source(%dma_start3A_415 : memref<1024xf32, #tpu.memory_space<vmem>>) target(%dma_start3A_413 : memref<1024xf32, #tpu.memory_space<hbm>>) target_semaphore(%arg20 : memref<!tpu.dma_semaphore, #tpu.memory_space<semaphore_mem>>)
      %dma_start3A_416 = arith.constant 2 : i32
      %dma_start3A_417 = arith.constant 2048 : i32
      %dma_start3A_418 = tpu.memref_slice %arg12[%dma_start3A_417] : memref<8192xf32, #tpu.memory_space<vmem>> -> memref<1024xf32, #tpu.memory_space<vmem>>
      %dma_start3A_419 = arith.constant 0 : i32
      %dma_start3A_420 = tpu.memref_slice %arg4[%select_n3A_390, %dma_start3A_416, %rem3A_393, %dma_start3A_419] : memref<200x8x32x1024xf32, #tpu.memory_space<hbm>> -> memref<1x1x1x1024xf32, #tpu.memory_space<hbm>>
      %dma_start3A_421 = tpu.memref_squeeze %dma_start3A_420 : memref<1x1x1x1024xf32, #tpu.memory_space<hbm>> -> memref<1024xf32, #tpu.memory_space<hbm>>
      %dma_start3A_422 = arith.constant 0 : i32
      %dma_start3A_423 = tpu.memref_slice %arg4[%select_n3A_390, %dma_start3A_416, %rem3A_393, %dma_start3A_422] : memref<200x8x32x1024xf32, #tpu.memory_space<hbm>> -> memref<1x1x1x1024xf32, #tpu.memory_space<hbm>>
      %dma_start3A_424 = tpu.memref_squeeze %dma_start3A_423 : memref<1x1x1x1024xf32, #tpu.memory_space<hbm>> -> memref<1024xf32, #tpu.memory_space<hbm>>
      %dma_start3A_425 = arith.constant 2048 : i32
      %dma_start3A_426 = tpu.memref_slice %arg12[%dma_start3A_425] : memref<8192xf32, #tpu.memory_space<vmem>> -> memref<1024xf32, #tpu.memory_space<vmem>>
      tpu.enqueue_dma source(%dma_start3A_426 : memref<1024xf32, #tpu.memory_space<vmem>>) target(%dma_start3A_424 : memref<1024xf32, #tpu.memory_space<hbm>>) target_semaphore(%arg20 : memref<!tpu.dma_semaphore, #tpu.memory_space<semaphore_mem>>)
      %dma_start3A_427 = arith.constant 3 : i32
      %dma_start3A_428 = arith.constant 3072 : i32
      %dma_start3A_429 = tpu.memref_slice %arg12[%dma_start3A_428] : memref<8192xf32, #tpu.memory_space<vmem>> -> memref<1024xf32, #tpu.memory_space<vmem>>
      %dma_start3A_430 = arith.constant 0 : i32
      %dma_start3A_431 = tpu.memref_slice %arg4[%select_n3A_390, %dma_start3A_427, %rem3A_393, %dma_start3A_430] : memref<200x8x32x1024xf32, #tpu.memory_space<hbm>> -> memref<1x1x1x1024xf32, #tpu.memory_space<hbm>>
      %dma_start3A_432 = tpu.memref_squeeze %dma_start3A_431 : memref<1x1x1x1024xf32, #tpu.memory_space<hbm>> -> memref<1024xf32, #tpu.memory_space<hbm>>
      %dma_start3A_433 = arith.constant 0 : i32
      %dma_start3A_434 = tpu.memref_slice %arg4[%select_n3A_390, %dma_start3A_427, %rem3A_393, %dma_start3A_433] : memref<200x8x32x1024xf32, #tpu.memory_space<hbm>> -> memref<1x1x1x1024xf32, #tpu.memory_space<hbm>>
      %dma_start3A_435 = tpu.memref_squeeze %dma_start3A_434 : memref<1x1x1x1024xf32, #tpu.memory_space<hbm>> -> memref<1024xf32, #tpu.memory_space<hbm>>
      %dma_start3A_436 = arith.constant 3072 : i32
      %dma_start3A_437 = tpu.memref_slice %arg12[%dma_start3A_436] : memref<8192xf32, #tpu.memory_space<vmem>> -> memref<1024xf32, #tpu.memory_space<vmem>>
      tpu.enqueue_dma source(%dma_start3A_437 : memref<1024xf32, #tpu.memory_space<vmem>>) target(%dma_start3A_435 : memref<1024xf32, #tpu.memory_space<hbm>>) target_semaphore(%arg20 : memref<!tpu.dma_semaphore, #tpu.memory_space<semaphore_mem>>)
      %dma_start3A_438 = arith.constant 4 : i32
      %dma_start3A_439 = arith.constant 4096 : i32
      %dma_start3A_440 = tpu.memref_slice %arg12[%dma_start3A_439] : memref<8192xf32, #tpu.memory_space<vmem>> -> memref<1024xf32, #tpu.memory_space<vmem>>
      %dma_start3A_441 = arith.constant 0 : i32
      %dma_start3A_442 = tpu.memref_slice %arg4[%select_n3A_390, %dma_start3A_438, %rem3A_393, %dma_start3A_441] : memref<200x8x32x1024xf32, #tpu.memory_space<hbm>> -> memref<1x1x1x1024xf32, #tpu.memory_space<hbm>>
      %dma_start3A_443 = tpu.memref_squeeze %dma_start3A_442 : memref<1x1x1x1024xf32, #tpu.memory_space<hbm>> -> memref<1024xf32, #tpu.memory_space<hbm>>
      %dma_start3A_444 = arith.constant 0 : i32
      %dma_start3A_445 = tpu.memref_slice %arg4[%select_n3A_390, %dma_start3A_438, %rem3A_393, %dma_start3A_444] : memref<200x8x32x1024xf32, #tpu.memory_space<hbm>> -> memref<1x1x1x1024xf32, #tpu.memory_space<hbm>>
      %dma_start3A_446 = tpu.memref_squeeze %dma_start3A_445 : memref<1x1x1x1024xf32, #tpu.memory_space<hbm>> -> memref<1024xf32, #tpu.memory_space<hbm>>
      %dma_start3A_447 = arith.constant 4096 : i32
      %dma_start3A_448 = tpu.memref_slice %arg12[%dma_start3A_447] : memref<8192xf32, #tpu.memory_space<vmem>> -> memref<1024xf32, #tpu.memory_space<vmem>>
      tpu.enqueue_dma source(%dma_start3A_448 : memref<1024xf32, #tpu.memory_space<vmem>>) target(%dma_start3A_446 : memref<1024xf32, #tpu.memory_space<hbm>>) target_semaphore(%arg20 : memref<!tpu.dma_semaphore, #tpu.memory_space<semaphore_mem>>)
      %dma_start3A_449 = arith.constant 5 : i32
      %dma_start3A_450 = arith.constant 5120 : i32
      %dma_start3A_451 = tpu.memref_slice %arg12[%dma_start3A_450] : memref<8192xf32, #tpu.memory_space<vmem>> -> memref<1024xf32, #tpu.memory_space<vmem>>
      %dma_start3A_452 = arith.constant 0 : i32
      %dma_start3A_453 = tpu.memref_slice %arg4[%select_n3A_390, %dma_start3A_449, %rem3A_393, %dma_start3A_452] : memref<200x8x32x1024xf32, #tpu.memory_space<hbm>> -> memref<1x1x1x1024xf32, #tpu.memory_space<hbm>>
      %dma_start3A_454 = tpu.memref_squeeze %dma_start3A_453 : memref<1x1x1x1024xf32, #tpu.memory_space<hbm>> -> memref<1024xf32, #tpu.memory_space<hbm>>
      %dma_start3A_455 = arith.constant 0 : i32
      %dma_start3A_456 = tpu.memref_slice %arg4[%select_n3A_390, %dma_start3A_449, %rem3A_393, %dma_start3A_455] : memref<200x8x32x1024xf32, #tpu.memory_space<hbm>> -> memref<1x1x1x1024xf32, #tpu.memory_space<hbm>>
      %dma_start3A_457 = tpu.memref_squeeze %dma_start3A_456 : memref<1x1x1x1024xf32, #tpu.memory_space<hbm>> -> memref<1024xf32, #tpu.memory_space<hbm>>
      %dma_start3A_458 = arith.constant 5120 : i32
      %dma_start3A_459 = tpu.memref_slice %arg12[%dma_start3A_458] : memref<8192xf32, #tpu.memory_space<vmem>> -> memref<1024xf32, #tpu.memory_space<vmem>>
      tpu.enqueue_dma source(%dma_start3A_459 : memref<1024xf32, #tpu.memory_space<vmem>>) target(%dma_start3A_457 : memref<1024xf32, #tpu.memory_space<hbm>>) target_semaphore(%arg20 : memref<!tpu.dma_semaphore, #tpu.memory_space<semaphore_mem>>)
      %dma_start3A_460 = arith.constant 6 : i32
      %dma_start3A_461 = arith.constant 6144 : i32
      %dma_start3A_462 = tpu.memref_slice %arg12[%dma_start3A_461] : memref<8192xf32, #tpu.memory_space<vmem>> -> memref<1024xf32, #tpu.memory_space<vmem>>
      %dma_start3A_463 = arith.constant 0 : i32
      %dma_start3A_464 = tpu.memref_slice %arg4[%select_n3A_390, %dma_start3A_460, %rem3A_393, %dma_start3A_463] : memref<200x8x32x1024xf32, #tpu.memory_space<hbm>> -> memref<1x1x1x1024xf32, #tpu.memory_space<hbm>>
      %dma_start3A_465 = tpu.memref_squeeze %dma_start3A_464 : memref<1x1x1x1024xf32, #tpu.memory_space<hbm>> -> memref<1024xf32, #tpu.memory_space<hbm>>
      %dma_start3A_466 = arith.constant 0 : i32
      %dma_start3A_467 = tpu.memref_slice %arg4[%select_n3A_390, %dma_start3A_460, %rem3A_393, %dma_start3A_466] : memref<200x8x32x1024xf32, #tpu.memory_space<hbm>> -> memref<1x1x1x1024xf32, #tpu.memory_space<hbm>>
      %dma_start3A_468 = tpu.memref_squeeze %dma_start3A_467 : memref<1x1x1x1024xf32, #tpu.memory_space<hbm>> -> memref<1024xf32, #tpu.memory_space<hbm>>
      %dma_start3A_469 = arith.constant 6144 : i32
      %dma_start3A_470 = tpu.memref_slice %arg12[%dma_start3A_469] : memref<8192xf32, #tpu.memory_space<vmem>> -> memref<1024xf32, #tpu.memory_space<vmem>>
      tpu.enqueue_dma source(%dma_start3A_470 : memref<1024xf32, #tpu.memory_space<vmem>>) target(%dma_start3A_468 : memref<1024xf32, #tpu.memory_space<hbm>>) target_semaphore(%arg20 : memref<!tpu.dma_semaphore, #tpu.memory_space<semaphore_mem>>)
      %dma_start3A_471 = arith.constant 7 : i32
      %dma_start3A_472 = arith.constant 7168 : i32
      %dma_start3A_473 = tpu.memref_slice %arg12[%dma_start3A_472] : memref<8192xf32, #tpu.memory_space<vmem>> -> memref<1024xf32, #tpu.memory_space<vmem>>
      %dma_start3A_474 = arith.constant 0 : i32
      %dma_start3A_475 = tpu.memref_slice %arg4[%select_n3A_390, %dma_start3A_471, %rem3A_393, %dma_start3A_474] : memref<200x8x32x1024xf32, #tpu.memory_space<hbm>> -> memref<1x1x1x1024xf32, #tpu.memory_space<hbm>>
      %dma_start3A_476 = tpu.memref_squeeze %dma_start3A_475 : memref<1x1x1x1024xf32, #tpu.memory_space<hbm>> -> memref<1024xf32, #tpu.memory_space<hbm>>
      %dma_start3A_477 = arith.constant 0 : i32
      %dma_start3A_478 = tpu.memref_slice %arg4[%select_n3A_390, %dma_start3A_471, %rem3A_393, %dma_start3A_477] : memref<200x8x32x1024xf32, #tpu.memory_space<hbm>> -> memref<1x1x1x1024xf32, #tpu.memory_space<hbm>>
      %dma_start3A_479 = tpu.memref_squeeze %dma_start3A_478 : memref<1x1x1x1024xf32, #tpu.memory_space<hbm>> -> memref<1024xf32, #tpu.memory_space<hbm>>
      %dma_start3A_480 = arith.constant 7168 : i32
      %dma_start3A_481 = tpu.memref_slice %arg12[%dma_start3A_480] : memref<8192xf32, #tpu.memory_space<vmem>> -> memref<1024xf32, #tpu.memory_space<vmem>>
      tpu.enqueue_dma source(%dma_start3A_481 : memref<1024xf32, #tpu.memory_space<vmem>>) target(%dma_start3A_479 : memref<1024xf32, #tpu.memory_space<hbm>>) target_semaphore(%arg20 : memref<!tpu.dma_semaphore, #tpu.memory_space<semaphore_mem>>)
      %lt3A_482 = arith.constant 49 : i32
      %lt3A_483 = arith.cmpi slt, %scan3A_82, %lt3A_482 : i32
      %convert_element_type3A_484 = arith.extui %lt3A_483 : i1 to i32
      %cond3A_485 = arith.constant 0 : i32
      %cond3A_486 = arith.cmpi ne, %convert_element_type3A_484, %cond3A_485 : i32
      scf.if %cond3A_486 {
        %add3A_626 = arith.constant 4 : i32
        %add3A_627 = arith.addi %add3A_351, %add3A_626 : i32
        %dma_start3A_628 = arith.constant 0 : i32
        %dma_start3A_629 = tpu.memref_slice %arg5[%add3A_627, %dma_start3A_628] : memref<200x128xi32, #tpu.memory_space<vmem>> -> memref<1x128xi32, #tpu.memory_space<vmem>>
        %dma_start3A_630 = tpu.memref_squeeze %dma_start3A_629 : memref<1x128xi32, #tpu.memory_space<vmem>> -> memref<128xi32, #tpu.memory_space<vmem>>
        %dma_start3A_631 = arith.constant 0 : i32
        %dma_start3A_632 = arith.constant 0 : i32
        %dma_start3A_633 = tpu.memref_slice %arg3[%dma_start3A_631, %dma_start3A_632] : memref<1000000x64xf32, #tpu.memory_space<hbm>> -> memref<1000000x64xf32, #tpu.memory_space<hbm>>
        tpu.enqueue_indirect_dma source(%dma_start3A_633 : memref<1000000x64xf32, #tpu.memory_space<hbm>>) target(%arg8 : memref<128x64xf32, #tpu.memory_space<vmem>>) offsets(%dma_start3A_630 : memref<128xi32, #tpu.memory_space<vmem>>) semaphore(%arg16 : memref<!tpu.dma_semaphore, #tpu.memory_space<semaphore_mem>>)
      } else {
      }
      %mul3A_487 = arith.constant 4 : i32
      %mul3A_488 = arith.muli %mul3A_487, %scan3A_82 : i32
      %add3A_489 = arith.constant 3 : i32
      %add3A_490 = arith.addi %mul3A_488, %add3A_489 : i32
      %dma_wait3A_491 = arith.constant 0 : i32
      %dma_wait3A_492 = arith.constant 0 : i32
      %dma_wait3A_493 = tpu.memref_slice %arg3[%dma_wait3A_491, %dma_wait3A_492] : memref<1000000x64xf32, #tpu.memory_space<hbm>> -> memref<128x64xf32, #tpu.memory_space<hbm>>
      %dma_wait3A_494 = arith.constant 0 : i32
      %dma_wait3A_495 = arith.constant 0 : i32
      %dma_wait3A_496 = tpu.memref_slice %arg3[%dma_wait3A_494, %dma_wait3A_495] : memref<1000000x64xf32, #tpu.memory_space<hbm>> -> memref<128x64xf32, #tpu.memory_space<hbm>>
      tpu.wait_dma2 semaphore(%arg17 : memref<!tpu.dma_semaphore, #tpu.memory_space<semaphore_mem>>) src(%dma_wait3A_496 : memref<128x64xf32, #tpu.memory_space<hbm>>) dst(%arg9 : memref<128x64xf32, #tpu.memory_space<vmem>>)
      %gt3A_497 = arith.constant 0 : i32
      %gt3A_498 = arith.cmpi sgt, %scan3A_82, %gt3A_497 : i32
      %convert_element_type3A_499 = arith.extui %gt3A_498 : i1 to i32
      %cond3A_500 = arith.constant 0 : i32
      %cond3A_501 = arith.cmpi ne, %convert_element_type3A_499, %cond3A_500 : i32
      scf.if %cond3A_501 {
        %dma_wait3A_626 = arith.constant 0 : i32
        %dma_wait3A_627 = arith.constant 0 : i32
        %dma_wait3A_628 = tpu.memref_slice %arg3[%dma_wait3A_626, %dma_wait3A_627] : memref<1000000x64xf32, #tpu.memory_space<hbm>> -> memref<128x64xf32, #tpu.memory_space<hbm>>
        %dma_wait3A_629 = arith.constant 0 : i32
        %dma_wait3A_630 = arith.constant 0 : i32
        %dma_wait3A_631 = tpu.memref_slice %arg3[%dma_wait3A_629, %dma_wait3A_630] : memref<1000000x64xf32, #tpu.memory_space<hbm>> -> memref<128x64xf32, #tpu.memory_space<hbm>>
        tpu.wait_dma2 semaphore(%arg21 : memref<!tpu.dma_semaphore, #tpu.memory_space<semaphore_mem>>) src(%dma_wait3A_631 : memref<128x64xf32, #tpu.memory_space<hbm>>) dst(%arg9 : memref<128x64xf32, #tpu.memory_space<vmem>>)
      } else {
      }
      %parallel_loop3A_502 = arith.constant 0 : i32
      %parallel_loop3A_503 = arith.constant 128 : i32
      %parallel_loop3A_504 = arith.constant 1 : i32
      scf.for %parallel_loop3A_626 = %parallel_loop3A_502 to %parallel_loop3A_503 step %parallel_loop3A_504  : i32 {
        %parallel_loop3A_627 = vector.broadcast %parallel_loop3A_626 : i32 to vector<16xi32>
        %parallel_loop3A_628 = arith.addi %mul3A_8, %parallel_loop3A_627 : vector<16xi32>
        %parallel_loop3A_629 = arith.index_cast %parallel_loop3A_626 : i32 to index
        %parallel_loop3A_630 = arith.constant 0 : index
        %parallel_loop3A_631 = tpu.vector_load %arg9[%parallel_loop3A_629, %parallel_loop3A_630] {strides = array<i32>} : memref<128x64xf32, #tpu.memory_space<vmem>>, vector<16xf32>,
        tpu.vector_store_idx %arg13[%parallel_loop3A_628], %parallel_loop3A_631 : memref<8192xf32, #tpu.memory_space<vmem>>[vector<16xi32>], vector<16xf32>,
        %parallel_loop3A_632 = vector.broadcast %parallel_loop3A_626 : i32 to vector<16xi32>
        %parallel_loop3A_633 = arith.addi %mul3A_14, %parallel_loop3A_632 : vector<16xi32>
        %parallel_loop3A_634 = arith.index_cast %parallel_loop3A_626 : i32 to index
        %parallel_loop3A_635 = arith.constant 16 : index
        %parallel_loop3A_636 = tpu.vector_load %arg9[%parallel_loop3A_634, %parallel_loop3A_635] {strides = array<i32>} : memref<128x64xf32, #tpu.memory_space<vmem>>, vector<16xf32>,
        tpu.vector_store_idx %arg13[%parallel_loop3A_633], %parallel_loop3A_636 : memref<8192xf32, #tpu.memory_space<vmem>>[vector<16xi32>], vector<16xf32>,
        %parallel_loop3A_637 = vector.broadcast %parallel_loop3A_626 : i32 to vector<16xi32>
        %parallel_loop3A_638 = arith.addi %mul3A_20, %parallel_loop3A_637 : vector<16xi32>
        %parallel_loop3A_639 = arith.index_cast %parallel_loop3A_626 : i32 to index
        %parallel_loop3A_640 = arith.constant 32 : index
        %parallel_loop3A_641 = tpu.vector_load %arg9[%parallel_loop3A_639, %parallel_loop3A_640] {strides = array<i32>} : memref<128x64xf32, #tpu.memory_space<vmem>>, vector<16xf32>,
        tpu.vector_store_idx %arg13[%parallel_loop3A_638], %parallel_loop3A_641 : memref<8192xf32, #tpu.memory_space<vmem>>[vector<16xi32>], vector<16xf32>,
        %parallel_loop3A_642 = vector.broadcast %parallel_loop3A_626 : i32 to vector<16xi32>
        %parallel_loop3A_643 = arith.addi %mul3A_26, %parallel_loop3A_642 : vector<16xi32>
        %parallel_loop3A_644 = arith.index_cast %parallel_loop3A_626 : i32 to index
        %parallel_loop3A_645 = arith.constant 48 : index
        %parallel_loop3A_646 = tpu.vector_load %arg9[%parallel_loop3A_644, %parallel_loop3A_645] {strides = array<i32>} : memref<128x64xf32, #tpu.memory_space<vmem>>, vector<16xf32>,
        tpu.vector_store_idx %arg13[%parallel_loop3A_643], %parallel_loop3A_646 : memref<8192xf32, #tpu.memory_space<vmem>>[vector<16xi32>], vector<16xf32>,
      } {sc.loop_unroll_factor = 8 : i64, sc.parallel_access}
      %add3A_505 = arith.addi %mul3A_2, %add3A_490 : i32
      %jit3A_506 = arith.constant 32 : i32
      %div3A_507 = arith.divsi %add3A_505, %jit3A_506 : i32
      %sign3A_508 = arith.constant 0 : i32
      %sign3A_509 = arith.cmpi sgt, %add3A_505, %sign3A_508 : i32
      %sign3A_510 = arith.extui %sign3A_509 : i1 to i32
      %sign3A_511 = arith.constant 0 : i32
      %sign3A_512 = arith.cmpi slt, %add3A_505, %sign3A_511 : i32
      %sign3A_513 = arith.extui %sign3A_512 : i1 to i32
      %sign3A_514 = arith.subi %sign3A_510, %sign3A_513 : i32
      %sign3A_515 = arith.constant 0 : i32
      %sign3A_516 = arith.cmpi sgt, %jit3A_506, %sign3A_515 : i32
      %sign3A_517 = arith.extui %sign3A_516 : i1 to i32
      %sign3A_518 = arith.constant 0 : i32
      %sign3A_519 = arith.cmpi slt, %jit3A_506, %sign3A_518 : i32
      %sign3A_520 = arith.extui %sign3A_519 : i1 to i32
      %sign3A_521 = arith.subi %sign3A_517, %sign3A_520 : i32
      %ne3A_522 = arith.cmpi ne, %sign3A_514, %sign3A_521 : i32
      %rem3A_523 = arith.remsi %add3A_505, %jit3A_506 : i32
      %ne3A_524 = arith.constant 0 : i32
      %ne3A_525 = arith.cmpi ne, %rem3A_523, %ne3A_524 : i32
      %and3A_526 = arith.andi %ne3A_522, %ne3A_525 : i1
      %sub3A_527 = arith.constant 1 : i32
      %sub3A_528 = arith.subi %div3A_507, %sub3A_527 : i32
      %select_n3A_529 = arith.select %and3A_526, %sub3A_528, %div3A_507 : i32
      %add3A_530 = arith.addi %mul3A_2, %add3A_490 : i32
      %rem3A_531 = arith.constant 32 : i32
      %rem3A_532 = arith.remsi %add3A_530, %rem3A_531 : i32
      %dma_start3A_533 = arith.constant 0 : i32
      %dma_start3A_534 = arith.constant 0 : i32
      %dma_start3A_535 = tpu.memref_slice %arg13[%dma_start3A_534] : memref<8192xf32, #tpu.memory_space<vmem>> -> memref<1024xf32, #tpu.memory_space<vmem>>
      %dma_start3A_536 = arith.constant 0 : i32
      %dma_start3A_537 = tpu.memref_slice %arg4[%select_n3A_529, %dma_start3A_533, %rem3A_532, %dma_start3A_536] : memref<200x8x32x1024xf32, #tpu.memory_space<hbm>> -> memref<1x1x1x1024xf32, #tpu.memory_space<hbm>>
      %dma_start3A_538 = tpu.memref_squeeze %dma_start3A_537 : memref<1x1x1x1024xf32, #tpu.memory_space<hbm>> -> memref<1024xf32, #tpu.memory_space<hbm>>
      %dma_start3A_539 = arith.constant 0 : i32
      %dma_start3A_540 = tpu.memref_slice %arg4[%select_n3A_529, %dma_start3A_533, %rem3A_532, %dma_start3A_539] : memref<200x8x32x1024xf32, #tpu.memory_space<hbm>> -> memref<1x1x1x1024xf32, #tpu.memory_space<hbm>>
      %dma_start3A_541 = tpu.memref_squeeze %dma_start3A_540 : memref<1x1x1x1024xf32, #tpu.memory_space<hbm>> -> memref<1024xf32, #tpu.memory_space<hbm>>
      %dma_start3A_542 = arith.constant 0 : i32
      %dma_start3A_543 = tpu.memref_slice %arg13[%dma_start3A_542] : memref<8192xf32, #tpu.memory_space<vmem>> -> memref<1024xf32, #tpu.memory_space<vmem>>
      tpu.enqueue_dma source(%dma_start3A_543 : memref<1024xf32, #tpu.memory_space<vmem>>) target(%dma_start3A_541 : memref<1024xf32, #tpu.memory_space<hbm>>) target_semaphore(%arg21 : memref<!tpu.dma_semaphore, #tpu.memory_space<semaphore_mem>>)
      %dma_start3A_544 = arith.constant 1 : i32
      %dma_start3A_545 = arith.constant 1024 : i32
      %dma_start3A_546 = tpu.memref_slice %arg13[%dma_start3A_545] : memref<8192xf32, #tpu.memory_space<vmem>> -> memref<1024xf32, #tpu.memory_space<vmem>>
      %dma_start3A_547 = arith.constant 0 : i32
      %dma_start3A_548 = tpu.memref_slice %arg4[%select_n3A_529, %dma_start3A_544, %rem3A_532, %dma_start3A_547] : memref<200x8x32x1024xf32, #tpu.memory_space<hbm>> -> memref<1x1x1x1024xf32, #tpu.memory_space<hbm>>
      %dma_start3A_549 = tpu.memref_squeeze %dma_start3A_548 : memref<1x1x1x1024xf32, #tpu.memory_space<hbm>> -> memref<1024xf32, #tpu.memory_space<hbm>>
      %dma_start3A_550 = arith.constant 0 : i32
      %dma_start3A_551 = tpu.memref_slice %arg4[%select_n3A_529, %dma_start3A_544, %rem3A_532, %dma_start3A_550] : memref<200x8x32x1024xf32, #tpu.memory_space<hbm>> -> memref<1x1x1x1024xf32, #tpu.memory_space<hbm>>
      %dma_start3A_552 = tpu.memref_squeeze %dma_start3A_551 : memref<1x1x1x1024xf32, #tpu.memory_space<hbm>> -> memref<1024xf32, #tpu.memory_space<hbm>>
      %dma_start3A_553 = arith.constant 1024 : i32
      %dma_start3A_554 = tpu.memref_slice %arg13[%dma_start3A_553] : memref<8192xf32, #tpu.memory_space<vmem>> -> memref<1024xf32, #tpu.memory_space<vmem>>
      tpu.enqueue_dma source(%dma_start3A_554 : memref<1024xf32, #tpu.memory_space<vmem>>) target(%dma_start3A_552 : memref<1024xf32, #tpu.memory_space<hbm>>) target_semaphore(%arg21 : memref<!tpu.dma_semaphore, #tpu.memory_space<semaphore_mem>>)
      %dma_start3A_555 = arith.constant 2 : i32
      %dma_start3A_556 = arith.constant 2048 : i32
      %dma_start3A_557 = tpu.memref_slice %arg13[%dma_start3A_556] : memref<8192xf32, #tpu.memory_space<vmem>> -> memref<1024xf32, #tpu.memory_space<vmem>>
      %dma_start3A_558 = arith.constant 0 : i32
      %dma_start3A_559 = tpu.memref_slice %arg4[%select_n3A_529, %dma_start3A_555, %rem3A_532, %dma_start3A_558] : memref<200x8x32x1024xf32, #tpu.memory_space<hbm>> -> memref<1x1x1x1024xf32, #tpu.memory_space<hbm>>
      %dma_start3A_560 = tpu.memref_squeeze %dma_start3A_559 : memref<1x1x1x1024xf32, #tpu.memory_space<hbm>> -> memref<1024xf32, #tpu.memory_space<hbm>>
      %dma_start3A_561 = arith.constant 0 : i32
      %dma_start3A_562 = tpu.memref_slice %arg4[%select_n3A_529, %dma_start3A_555, %rem3A_532, %dma_start3A_561] : memref<200x8x32x1024xf32, #tpu.memory_space<hbm>> -> memref<1x1x1x1024xf32, #tpu.memory_space<hbm>>
      %dma_start3A_563 = tpu.memref_squeeze %dma_start3A_562 : memref<1x1x1x1024xf32, #tpu.memory_space<hbm>> -> memref<1024xf32, #tpu.memory_space<hbm>>
      %dma_start3A_564 = arith.constant 2048 : i32
      %dma_start3A_565 = tpu.memref_slice %arg13[%dma_start3A_564] : memref<8192xf32, #tpu.memory_space<vmem>> -> memref<1024xf32, #tpu.memory_space<vmem>>
      tpu.enqueue_dma source(%dma_start3A_565 : memref<1024xf32, #tpu.memory_space<vmem>>) target(%dma_start3A_563 : memref<1024xf32, #tpu.memory_space<hbm>>) target_semaphore(%arg21 : memref<!tpu.dma_semaphore, #tpu.memory_space<semaphore_mem>>)
      %dma_start3A_566 = arith.constant 3 : i32
      %dma_start3A_567 = arith.constant 3072 : i32
      %dma_start3A_568 = tpu.memref_slice %arg13[%dma_start3A_567] : memref<8192xf32, #tpu.memory_space<vmem>> -> memref<1024xf32, #tpu.memory_space<vmem>>
      %dma_start3A_569 = arith.constant 0 : i32
      %dma_start3A_570 = tpu.memref_slice %arg4[%select_n3A_529, %dma_start3A_566, %rem3A_532, %dma_start3A_569] : memref<200x8x32x1024xf32, #tpu.memory_space<hbm>> -> memref<1x1x1x1024xf32, #tpu.memory_space<hbm>>
      %dma_start3A_571 = tpu.memref_squeeze %dma_start3A_570 : memref<1x1x1x1024xf32, #tpu.memory_space<hbm>> -> memref<1024xf32, #tpu.memory_space<hbm>>
      %dma_start3A_572 = arith.constant 0 : i32
      %dma_start3A_573 = tpu.memref_slice %arg4[%select_n3A_529, %dma_start3A_566, %rem3A_532, %dma_start3A_572] : memref<200x8x32x1024xf32, #tpu.memory_space<hbm>> -> memref<1x1x1x1024xf32, #tpu.memory_space<hbm>>
      %dma_start3A_574 = tpu.memref_squeeze %dma_start3A_573 : memref<1x1x1x1024xf32, #tpu.memory_space<hbm>> -> memref<1024xf32, #tpu.memory_space<hbm>>
      %dma_start3A_575 = arith.constant 3072 : i32
      %dma_start3A_576 = tpu.memref_slice %arg13[%dma_start3A_575] : memref<8192xf32, #tpu.memory_space<vmem>> -> memref<1024xf32, #tpu.memory_space<vmem>>
      tpu.enqueue_dma source(%dma_start3A_576 : memref<1024xf32, #tpu.memory_space<vmem>>) target(%dma_start3A_574 : memref<1024xf32, #tpu.memory_space<hbm>>) target_semaphore(%arg21 : memref<!tpu.dma_semaphore, #tpu.memory_space<semaphore_mem>>)
      %dma_start3A_577 = arith.constant 4 : i32
      %dma_start3A_578 = arith.constant 4096 : i32
      %dma_start3A_579 = tpu.memref_slice %arg13[%dma_start3A_578] : memref<8192xf32, #tpu.memory_space<vmem>> -> memref<1024xf32, #tpu.memory_space<vmem>>
      %dma_start3A_580 = arith.constant 0 : i32
      %dma_start3A_581 = tpu.memref_slice %arg4[%select_n3A_529, %dma_start3A_577, %rem3A_532, %dma_start3A_580] : memref<200x8x32x1024xf32, #tpu.memory_space<hbm>> -> memref<1x1x1x1024xf32, #tpu.memory_space<hbm>>
      %dma_start3A_582 = tpu.memref_squeeze %dma_start3A_581 : memref<1x1x1x1024xf32, #tpu.memory_space<hbm>> -> memref<1024xf32, #tpu.memory_space<hbm>>
      %dma_start3A_583 = arith.constant 0 : i32
      %dma_start3A_584 = tpu.memref_slice %arg4[%select_n3A_529, %dma_start3A_577, %rem3A_532, %dma_start3A_583] : memref<200x8x32x1024xf32, #tpu.memory_space<hbm>> -> memref<1x1x1x1024xf32, #tpu.memory_space<hbm>>
      %dma_start3A_585 = tpu.memref_squeeze %dma_start3A_584 : memref<1x1x1x1024xf32, #tpu.memory_space<hbm>> -> memref<1024xf32, #tpu.memory_space<hbm>>
      %dma_start3A_586 = arith.constant 4096 : i32
      %dma_start3A_587 = tpu.memref_slice %arg13[%dma_start3A_586] : memref<8192xf32, #tpu.memory_space<vmem>> -> memref<1024xf32, #tpu.memory_space<vmem>>
      tpu.enqueue_dma source(%dma_start3A_587 : memref<1024xf32, #tpu.memory_space<vmem>>) target(%dma_start3A_585 : memref<1024xf32, #tpu.memory_space<hbm>>) target_semaphore(%arg21 : memref<!tpu.dma_semaphore, #tpu.memory_space<semaphore_mem>>)
      %dma_start3A_588 = arith.constant 5 : i32
      %dma_start3A_589 = arith.constant 5120 : i32
      %dma_start3A_590 = tpu.memref_slice %arg13[%dma_start3A_589] : memref<8192xf32, #tpu.memory_space<vmem>> -> memref<1024xf32, #tpu.memory_space<vmem>>
      %dma_start3A_591 = arith.constant 0 : i32
      %dma_start3A_592 = tpu.memref_slice %arg4[%select_n3A_529, %dma_start3A_588, %rem3A_532, %dma_start3A_591] : memref<200x8x32x1024xf32, #tpu.memory_space<hbm>> -> memref<1x1x1x1024xf32, #tpu.memory_space<hbm>>
      %dma_start3A_593 = tpu.memref_squeeze %dma_start3A_592 : memref<1x1x1x1024xf32, #tpu.memory_space<hbm>> -> memref<1024xf32, #tpu.memory_space<hbm>>
      %dma_start3A_594 = arith.constant 0 : i32
      %dma_start3A_595 = tpu.memref_slice %arg4[%select_n3A_529, %dma_start3A_588, %rem3A_532, %dma_start3A_594] : memref<200x8x32x1024xf32, #tpu.memory_space<hbm>> -> memref<1x1x1x1024xf32, #tpu.memory_space<hbm>>
      %dma_start3A_596 = tpu.memref_squeeze %dma_start3A_595 : memref<1x1x1x1024xf32, #tpu.memory_space<hbm>> -> memref<1024xf32, #tpu.memory_space<hbm>>
      %dma_start3A_597 = arith.constant 5120 : i32
      %dma_start3A_598 = tpu.memref_slice %arg13[%dma_start3A_597] : memref<8192xf32, #tpu.memory_space<vmem>> -> memref<1024xf32, #tpu.memory_space<vmem>>
      tpu.enqueue_dma source(%dma_start3A_598 : memref<1024xf32, #tpu.memory_space<vmem>>) target(%dma_start3A_596 : memref<1024xf32, #tpu.memory_space<hbm>>) target_semaphore(%arg21 : memref<!tpu.dma_semaphore, #tpu.memory_space<semaphore_mem>>)
      %dma_start3A_599 = arith.constant 6 : i32
      %dma_start3A_600 = arith.constant 6144 : i32
      %dma_start3A_601 = tpu.memref_slice %arg13[%dma_start3A_600] : memref<8192xf32, #tpu.memory_space<vmem>> -> memref<1024xf32, #tpu.memory_space<vmem>>
      %dma_start3A_602 = arith.constant 0 : i32
      %dma_start3A_603 = tpu.memref_slice %arg4[%select_n3A_529, %dma_start3A_599, %rem3A_532, %dma_start3A_602] : memref<200x8x32x1024xf32, #tpu.memory_space<hbm>> -> memref<1x1x1x1024xf32, #tpu.memory_space<hbm>>
      %dma_start3A_604 = tpu.memref_squeeze %dma_start3A_603 : memref<1x1x1x1024xf32, #tpu.memory_space<hbm>> -> memref<1024xf32, #tpu.memory_space<hbm>>
      %dma_start3A_605 = arith.constant 0 : i32
      %dma_start3A_606 = tpu.memref_slice %arg4[%select_n3A_529, %dma_start3A_599, %rem3A_532, %dma_start3A_605] : memref<200x8x32x1024xf32, #tpu.memory_space<hbm>> -> memref<1x1x1x1024xf32, #tpu.memory_space<hbm>>
      %dma_start3A_607 = tpu.memref_squeeze %dma_start3A_606 : memref<1x1x1x1024xf32, #tpu.memory_space<hbm>> -> memref<1024xf32, #tpu.memory_space<hbm>>
      %dma_start3A_608 = arith.constant 6144 : i32
      %dma_start3A_609 = tpu.memref_slice %arg13[%dma_start3A_608] : memref<8192xf32, #tpu.memory_space<vmem>> -> memref<1024xf32, #tpu.memory_space<vmem>>
      tpu.enqueue_dma source(%dma_start3A_609 : memref<1024xf32, #tpu.memory_space<vmem>>) target(%dma_start3A_607 : memref<1024xf32, #tpu.memory_space<hbm>>) target_semaphore(%arg21 : memref<!tpu.dma_semaphore, #tpu.memory_space<semaphore_mem>>)
      %dma_start3A_610 = arith.constant 7 : i32
      %dma_start3A_611 = arith.constant 7168 : i32
      %dma_start3A_612 = tpu.memref_slice %arg13[%dma_start3A_611] : memref<8192xf32, #tpu.memory_space<vmem>> -> memref<1024xf32, #tpu.memory_space<vmem>>
      %dma_start3A_613 = arith.constant 0 : i32
      %dma_start3A_614 = tpu.memref_slice %arg4[%select_n3A_529, %dma_start3A_610, %rem3A_532, %dma_start3A_613] : memref<200x8x32x1024xf32, #tpu.memory_space<hbm>> -> memref<1x1x1x1024xf32, #tpu.memory_space<hbm>>
      %dma_start3A_615 = tpu.memref_squeeze %dma_start3A_614 : memref<1x1x1x1024xf32, #tpu.memory_space<hbm>> -> memref<1024xf32, #tpu.memory_space<hbm>>
      %dma_start3A_616 = arith.constant 0 : i32
      %dma_start3A_617 = tpu.memref_slice %arg4[%select_n3A_529, %dma_start3A_610, %rem3A_532, %dma_start3A_616] : memref<200x8x32x1024xf32, #tpu.memory_space<hbm>> -> memref<1x1x1x1024xf32, #tpu.memory_space<hbm>>
      %dma_start3A_618 = tpu.memref_squeeze %dma_start3A_617 : memref<1x1x1x1024xf32, #tpu.memory_space<hbm>> -> memref<1024xf32, #tpu.memory_space<hbm>>
      %dma_start3A_619 = arith.constant 7168 : i32
      %dma_start3A_620 = tpu.memref_slice %arg13[%dma_start3A_619] : memref<8192xf32, #tpu.memory_space<vmem>> -> memref<1024xf32, #tpu.memory_space<vmem>>
      tpu.enqueue_dma source(%dma_start3A_620 : memref<1024xf32, #tpu.memory_space<vmem>>) target(%dma_start3A_618 : memref<1024xf32, #tpu.memory_space<hbm>>) target_semaphore(%arg21 : memref<!tpu.dma_semaphore, #tpu.memory_space<semaphore_mem>>)
      %lt3A_621 = arith.constant 49 : i32
      %lt3A_622 = arith.cmpi slt, %scan3A_82, %lt3A_621 : i32
      %convert_element_type3A_623 = arith.extui %lt3A_622 : i1 to i32
      %cond3A_624 = arith.constant 0 : i32
      %cond3A_625 = arith.cmpi ne, %convert_element_type3A_623, %cond3A_624 : i32
      scf.if %cond3A_625 {
        %add3A_626 = arith.constant 4 : i32
        %add3A_627 = arith.addi %add3A_490, %add3A_626 : i32
        %dma_start3A_628 = arith.constant 0 : i32
        %dma_start3A_629 = tpu.memref_slice %arg5[%add3A_627, %dma_start3A_628] : memref<200x128xi32, #tpu.memory_space<vmem>> -> memref<1x128xi32, #tpu.memory_space<vmem>>
        %dma_start3A_630 = tpu.memref_squeeze %dma_start3A_629 : memref<1x128xi32, #tpu.memory_space<vmem>> -> memref<128xi32, #tpu.memory_space<vmem>>
        %dma_start3A_631 = arith.constant 0 : i32
        %dma_start3A_632 = arith.constant 0 : i32
        %dma_start3A_633 = tpu.memref_slice %arg3[%dma_start3A_631, %dma_start3A_632] : memref<1000000x64xf32, #tpu.memory_space<hbm>> -> memref<1000000x64xf32, #tpu.memory_space<hbm>>
        tpu.enqueue_indirect_dma source(%dma_start3A_633 : memref<1000000x64xf32, #tpu.memory_space<hbm>>) target(%arg9 : memref<128x64xf32, #tpu.memory_space<vmem>>) offsets(%dma_start3A_630 : memref<128xi32, #tpu.memory_space<vmem>>) semaphore(%arg17 : memref<!tpu.dma_semaphore, #tpu.memory_space<semaphore_mem>>)
      } else {
      }
    }
    %scan3A_58 = arith.constant 50 : i32
    %dma_wait3A = arith.constant 0 : i32
    %dma_wait3A_59 = arith.constant 0 : i32
    %dma_wait3A_60 = tpu.memref_slice %arg3[%dma_wait3A, %dma_wait3A_59] : memref<1000000x64xf32, #tpu.memory_space<hbm>> -> memref<128x64xf32, #tpu.memory_space<hbm>>
    %dma_wait3A_61 = arith.constant 0 : i32
    %dma_wait3A_62 = arith.constant 0 : i32
    %dma_wait3A_63 = tpu.memref_slice %arg3[%dma_wait3A_61, %dma_wait3A_62] : memref<1000000x64xf32, #tpu.memory_space<hbm>> -> memref<128x64xf32, #tpu.memory_space<hbm>>
    tpu.wait_dma2 semaphore(%arg18 : memref<!tpu.dma_semaphore, #tpu.memory_space<semaphore_mem>>) src(%dma_wait3A_63 : memref<128x64xf32, #tpu.memory_space<hbm>>) dst(%arg6 : memref<128x64xf32, #tpu.memory_space<vmem>>)
    %dma_wait3A_64 = arith.constant 0 : i32
    %dma_wait3A_65 = arith.constant 0 : i32
    %dma_wait3A_66 = tpu.memref_slice %arg3[%dma_wait3A_64, %dma_wait3A_65] : memref<1000000x64xf32, #tpu.memory_space<hbm>> -> memref<128x64xf32, #tpu.memory_space<hbm>>
    %dma_wait3A_67 = arith.constant 0 : i32
    %dma_wait3A_68 = arith.constant 0 : i32
    %dma_wait3A_69 = tpu.memref_slice %arg3[%dma_wait3A_67, %dma_wait3A_68] : memref<1000000x64xf32, #tpu.memory_space<hbm>> -> memref<128x64xf32, #tpu.memory_space<hbm>>
    tpu.wait_dma2 semaphore(%arg19 : memref<!tpu.dma_semaphore, #tpu.memory_space<semaphore_mem>>) src(%dma_wait3A_69 : memref<128x64xf32, #tpu.memory_space<hbm>>) dst(%arg7 : memref<128x64xf32, #tpu.memory_space<vmem>>)
    %dma_wait3A_70 = arith.constant 0 : i32
    %dma_wait3A_71 = arith.constant 0 : i32
    %dma_wait3A_72 = tpu.memref_slice %arg3[%dma_wait3A_70, %dma_wait3A_71] : memref<1000000x64xf32, #tpu.memory_space<hbm>> -> memref<128x64xf32, #tpu.memory_space<hbm>>
    %dma_wait3A_73 = arith.constant 0 : i32
    %dma_wait3A_74 = arith.constant 0 : i32
    %dma_wait3A_75 = tpu.memref_slice %arg3[%dma_wait3A_73, %dma_wait3A_74] : memref<1000000x64xf32, #tpu.memory_space<hbm>> -> memref<128x64xf32, #tpu.memory_space<hbm>>
    tpu.wait_dma2 semaphore(%arg20 : memref<!tpu.dma_semaphore, #tpu.memory_space<semaphore_mem>>) src(%dma_wait3A_75 : memref<128x64xf32, #tpu.memory_space<hbm>>) dst(%arg8 : memref<128x64xf32, #tpu.memory_space<vmem>>)
    %dma_wait3A_76 = arith.constant 0 : i32
    %dma_wait3A_77 = arith.constant 0 : i32
    %dma_wait3A_78 = tpu.memref_slice %arg3[%dma_wait3A_76, %dma_wait3A_77] : memref<1000000x64xf32, #tpu.memory_space<hbm>> -> memref<128x64xf32, #tpu.memory_space<hbm>>
    %dma_wait3A_79 = arith.constant 0 : i32
    %dma_wait3A_80 = arith.constant 0 : i32
    %dma_wait3A_81 = tpu.memref_slice %arg3[%dma_wait3A_79, %dma_wait3A_80] : memref<1000000x64xf32, #tpu.memory_space<hbm>> -> memref<128x64xf32, #tpu.memory_space<hbm>>
    tpu.wait_dma2 semaphore(%arg21 : memref<!tpu.dma_semaphore, #tpu.memory_space<semaphore_mem>>) src(%dma_wait3A_81 : memref<128x64xf32, #tpu.memory_space<hbm>>) dst(%arg9 : memref<128x64xf32, #tpu.memory_space<vmem>>)
    return
  }
}

</mosaic_0001>

<sc_bundles>
// kernel: kernel.3.cloned.1.call-start
scs
__scs_entry_jumppad:
0x0: {  	(pc) =	sbr.rel $0x88, $3  }
0x1: {  	(tag) =	ssettag $0x0;
	lr =	simm.s32 $0x1  }
0x2: {  	[smem:$0x3F9F] =	sst lr;
	_ =	strace $0xD0000000  }
0x3: {  	_ = 	snop  }
0x4: {  	_ = 	snop  }
0x5: {  	_ = 	snop  }
0x6: {  	_ = 	snop  }
0x7: {  	_ = 	snop  }
__scs_overlays_trampoline_lowered:
0x8: {  	[smem:$0x3FAE] =	sst s0  }
0x9: {  	[smem:$0x3FAF] =	sst s1  }
0xa: {  	[smem:$0x3FB0] =	sst s2  }
0xb: {  	[smem:$0x3FB1] =	sst s3  }
0xc: {  	[smem:$0x3FB2] =	sst s4  }
0xd: {  	[smem:$0x3FB3] =	sst s5  }
0xe: {  	[smem:$0x3FB4] =	sst s6  }
0xf: {  	[smem:$0x3FB5] =	sst s7  }
0x10: {  	[smem:$0x3FB6] =	sst s8  }
0x11: {  	[smem:$0x3FB7] =	sst s9;
	s0 =	simm.s32 @!p0 $0x0  }
0x12: {  	s1 =	sld [smem:$0x3F9D];
	s0 =	simm.s32 @p0 $0x1  }
0x13: {  	[smem:$0x3FB8] =	sst s0;
	s0 =	simm.s32 @!p1 $0x0  }
0x14: {  	s2 =	sld [smem:$0x3F9C];
	s0 =	simm.s32 @p1 $0x1  }
0x15: {  	[smem:$0x3FB9] =	sst s0;
	s0 =	simm.s32 @!p2 $0x0  }
0x16: {  	s3 =	sld [smem:$0x3FDB];
	s0 =	simm.s32 @p2 $0x1  }
0x17: {  	s4 =	simm.s32 $0x1BF5;
	[smem:$0x3FBB] =	sst s0  }
0x18: {  	s0 =	sld [smem:$0x3F9E];
	_ =	swait.ge [sflag:s4], $0x0  }
0x19: {  	s7 =	sld [smem:$0x3F9F]  }
0x1a: {  	s8 =	sadd.s32 $0xFFFFE003, lr  }
0x1b: {  	s9 =	sadd.s32 $0xFFFFFEF7, lr;
	s5 =	simm.s32 $0xFFFFFFFF;
	p2 =	slt.u32 s8, $0xFFFFF086  }
0x1c: {  	p1 =	slt.u32 s9, $0xF7A;
	s5 =	simm.s32 @!p2 $0x0  }
0x1d: {  	s5 =	simm.s32 @p1 $0x1;
	p0 =	seq.s32 s7, s2  }
0x1e: {  	s7 =	smul.u32 @!p0 $0xF7A, s2;
	p2 =	seq.s32 @!p0 s5, $0x0  }
0x1f: {  	s9 =	smul.u32 $0xF7A, s1;
	s8 =	simm.s32 @!p0 $0x1BF5;
	p2 =	por !p2, p0  }
0x20: {  	[sflag:s8] =	ssyncset.s32 @!p0 $0xFFFFF086;
	s6 =	sadd.s32 @!p0 s3, s7;
	s7 =	simm.s32 @!p0 $0x108  }
0x21: {  	s3 =	sadd.s32 s3, s9;
	s6 =	sadd.s32 @!p0 $0x88, s6;
	s7 =	simm.s32 @p2 $0x1082  }
0x22: {  	[simem:s7], [sflag:s8] =	dma.local @!p0 [hbm:s6], $0xF7A  }
0x23: {  	s9 =	sor.u32 $0xD0000000, s2;
	s6 =	simm.s32 $0x108;
	_ =	swait.ge @!p0 [sflag:s8], $0x0  }
0x24: {  	s3 =	sadd.s32 $0x88, s3;
	s6 =	simm.s32 @!p1 $0x1082;
	[sflag:s4] =	ssyncset.s32 $0xFFFFF086  }
0x25: {  	[simem:s6], [sflag:s4] =	dma.local [hbm:s3], $0xF7A  }
0x26: {  	[smem:$0x3F9F] =	sst s1;
	(tag) =	ssettag s2;
	_ =	strace s9  }
0x27: {  	s1 =	sld [smem:$0x3FAF]  }
0x28: {  	s2 =	sld [smem:$0x3FB0]  }
0x29: {  	s4 =	sld [smem:$0x3FB2]  }
0x2a: {  	p0 =	seq.s32 s5, $0x0;
	s5 =	sld [smem:$0x3FB3]  }
0x2b: {  	s6 =	sld [smem:$0x3FB4]  }
0x2c: {  	s7 =	sld [smem:$0x3FB5]  }
0x2d: {  	s3 =	simm.s32 $0x108;
	s8 =	sld [smem:$0x3FB6]  }
0x2e: {  	s3 =	simm.s32 @!p0 $0x1082;
	s9 =	sld [smem:$0x3FB7]  }
0x2f: {  	lr =	sadd.s32 s0, s3;
	s0 =	sld [smem:$0x3FAE]  }
0x30: {  	s3 =	sld [smem:$0x3FB1]  }
0x31: {  	[smem:$0x3FBA] =	sst s10  }
0x32: {  	s10 =	sld [smem:$0x3FB8];
	_ =	sdelay $0x3  }
0x33: {  	p0 =	seq.s32 s10, $0x1;
	s10 =	sld [smem:$0x3FBA];
	_ =	sdelay $0x3  }
0x34: {  	[smem:$0x3FBA] =	sst s10  }
0x35: {  	s10 =	sld [smem:$0x3FB9];
	_ =	sdelay $0x3  }
0x36: {  	p1 =	seq.s32 s10, $0x1;
	s10 =	sld [smem:$0x3FBA];
	_ =	sdelay $0x3  }
0x37: {  	[smem:$0x3FBA] =	sst s10  }
0x38: {  	s10 =	sld [smem:$0x3FBB]  }
0x39: {  	_ = 	snop;
	(pc) =	sbr.ind lr, $3  }
0x3a: {  	_ = 	snop  }
0x3b: {  	_ = 	snop  }
0x3c: {  	p2 =	seq.s32 s10, $0x1;
	s10 =	sld [smem:$0x3FBA]  }
0x3d: {  	_ =	shalt  }
0x3e: {  	_ =	shalt  }
0x3f: {  	_ =	shalt  }
0x40: {  	_ =	shalt  }
0x41: {  	_ =	shalt  }
0x42: {  	_ =	shalt  }
0x43: {  	_ =	shalt  }
0x44: {  	_ =	shalt  }
0x45: {  	_ =	shalt  }
0x46: {  	_ =	shalt  }
0x47: {  	_ =	shalt  }
0x48: {  	_ =	shalt  }
0x49: {  	_ =	shalt  }
0x4a: {  	_ =	shalt  }
0x4b: {  	_ =	shalt  }
0x4c: {  	_ =	shalt  }
0x4d: {  	_ =	shalt  }
0x4e: {  	_ =	shalt  }
0x4f: {  	_ =	shalt  }
0x50: {  	_ =	shalt  }
0x51: {  	_ =	shalt  }
0x52: {  	_ =	shalt  }
0x53: {  	_ =	shalt  }
0x54: {  	_ =	shalt  }
0x55: {  	_ =	shalt  }
0x56: {  	_ =	shalt  }
0x57: {  	_ =	shalt  }
0x58: {  	_ =	shalt  }
0x59: {  	_ =	shalt  }
0x5a: {  	_ =	shalt  }
0x5b: {  	_ =	shalt  }
0x5c: {  	_ =	shalt  }
0x5d: {  	_ =	shalt  }
0x5e: {  	_ =	shalt  }
0x5f: {  	_ =	shalt  }
0x60: {  	_ =	shalt  }
0x61: {  	_ =	shalt  }
0x62: {  	_ =	shalt  }
0x63: {  	_ =	shalt  }
0x64: {  	_ =	shalt  }
0x65: {  	_ =	shalt  }
0x66: {  	_ =	shalt  }
0x67: {  	_ =	shalt  }
0x68: {  	_ =	shalt  }
0x69: {  	_ =	shalt  }
0x6a: {  	_ =	shalt  }
0x6b: {  	_ =	shalt  }
0x6c: {  	_ =	shalt  }
0x6d: {  	_ =	shalt  }
0x6e: {  	_ =	shalt  }
0x6f: {  	_ =	shalt  }
0x70: {  	_ =	shalt  }
0x71: {  	_ =	shalt  }
0x72: {  	_ =	shalt  }
0x73: {  	_ =	shalt  }
0x74: {  	_ =	shalt  }
0x75: {  	_ =	shalt  }
0x76: {  	_ =	shalt  }
0x77: {  	_ =	shalt  }
0x78: {  	_ =	shalt  }
0x79: {  	_ =	shalt  }
0x7a: {  	_ =	shalt  }
0x7b: {  	_ =	shalt  }
0x7c: {  	_ =	shalt  }
0x7d: {  	_ =	shalt  }
0x7e: {  	_ =	shalt  }
0x7f: {  	_ =	shalt  }
0x80: {  	_ =	shalt  }
0x81: {  	_ =	shalt  }
0x82: {  	_ =	shalt  }
0x83: {  	_ =	shalt  }
0x84: {  	_ =	shalt  }
0x85: {  	_ =	shalt  }
0x86: {  	_ =	shalt  }
0x87: {  	_ =	shalt  }
.Lfunc_end0:
.L_simem_size_0:
called_computation_lowered:
.L_overlay_start_0:
0x88: {  	s2 =	sld [smem:$0x3FD9]  }
0x89: {  	s3 =	sld [smem:$0x3FFE];
	_ =	sdelay $0x1  }
0x8a: {  	s1 =	srdreg.scid  }
0x8b: {  	s0 =	sand.u32 $0x1, s1  }
0x8c: {  	s17 =	sshll.u32 s0, $0xA;
	s2 =	sadd.s32 s3, s2  }
0x8d: {  	s2 =	sadd.s32 s2, s17  }
0x8e: {  	[smem:$0x3FC6] =	sst s2  }
0x8f: {  	_ = 	snop  }
0x90: {  	s2 =	sld [smem:$0x3FD0];
	(tm) =	ssettm $0x1  }
0x91: {  	s18 =	sld [smem:$0x3FFB];
	_ =	sdelay $0x3  }
0x92: {  	_ =	strace s18  }
0x93: {  	s3 =	sld [smem:$0x3FFC];
	_ =	sdelay $0x3  }
0x94: {  	_ =	strace s3  }
0x95: {  	s3 =	sld [smem:$0x3FFD];
	_ =	sdelay $0x3  }
0x96: {  	_ =	strace s3  }
0x97: {  	_ =	strace $0x8FFFFFFF  }
0x98: {  	s19 =	sld [smem:$0x3FDB];
	_ =	sdelay $0x1  }
0x99: {  	s4 =	simm.s32 $_scs_section_size  }
0x9a: {  	s5 =	simm.s32 $_size__tile_overlayer_lowered;
	s6 =	simm.s32 $_tile_overlayer_lowered  }
0x9b: {  	s22 =	simm.s32 $0x1BFF;
	s21 =	sshll.u32 s6, $0x1;
	s3 =	sadd.s32 s4, s19  }
0x9c: {  	s7 =	simm.s32 $0x0;
	s20 =	sshll.u32 s5, $0x1;
	s5 =	sadd.s32 s21, s3  }
0x9d: {  	[timem:s7], [sflag:s22] =	dma.local [hbm:s5], s20  }
0x9e: {  	_ =	swait.ge [sflag:s22], s20  }
0x9f: {  	s4 =	ssub.s32 $0x0, s20;
	[sflag:s22] =	ssyncset.done $0x0  }
0xa0: {  	[sflag:s22] =	ssyncadd.s32 s4;
	_ =	sdelay $0x1  }
0xa1: {  	s23 =	simm.s32 $0x1B8B  }
0xa2: {  	_ =	swait.ge [sflag:s23], $0x1  }
0xa3: {  	[sflag:s23] =	ssyncset.done $0x0  }
0xa4: {  	s25 =	simm.s32 $0x1B8E;
	s24 =	sld [smem:$0x3FFE];
	[sflag:s23] =	ssyncadd.s32 $0xFFFFFFFF  }
0xa5: {  	s26 =	simm.s32 $execute0_lowered;
	[smem:$0x3FD2] =	sst s25  }
0xa6: {  	s5 =	sshll.u32 s26, $0x1;
	_ =	strace $0x80000046;
	[dreg:$0x1] =	wrdreg $0xFFFFFFFF  }
0xa7: {  	s28 =	simm.s32 $_size_execute0_lowered;
	s3 =	sadd.s32 s3, s5;
	[dreg:$0x0] =	wrdreg $0x0  }
0xa8: {  	s5 =	sshll.u32 s28, $0x1;
	[dreg:$0x2] =	wrdreg s3  }
0xa9: {  	[dreg:$0x3] =	wrdreg s5  }
0xaa: {  	[dreg:$0x4] =	wrdreg $0xC0  }
0xab: {  	_ =	task [dreg:s7], $0x5FFFF  }
0xac: {  	[dreg:$0x1] =	wrdreg $0xFFFFFFFF  }
0xad: {  	[dreg:$0x0] =	wrdreg $0x60  }
0xae: {  	[dreg:$0x2] =	wrdreg s24  }
0xaf: {  	[dreg:$0x3] =	wrdreg s2  }
0xb0: {  	[dreg:$0x4] =	wrdreg $0x9  }
0xb1: {  	_ =	task.clear_ibuf [dreg:s7], $0x5FFFF;
	_ =	strace $0x90000046  }
0xb2: {  	s29 =	simm.s32 $0x9;
	_ =	strace $0x80000048  }
0xb3: {  	_ =	swait.ge [sflag:s29], $0x1  }
0xb4: {  	[sflag:s29] =	ssyncadd.s32 $0xFFFFFFFF  }
0xb5: {  	_ =	strace $0x90000048  }
0xb6: {  	_ =	sfence  }
0xb7: {  	s30 =	sld [smem:$0x0];
	_ =	sdelay $0x2  }
0xb8: {  	s31 =	sshll.u32 s1, $0xD;
	s1 =	sshrl.u32 s1, $0x2  }
0xb9: {  	s3 =	sand.u32 $0x4000, s31;
	s1 =	sadd.s32 s1, s30  }
0xba: {  	s0 =	sor.u32 s3, s0;
	s1 =	sshll.u32 s1, $0x11  }
0xbb: {  	s0 =	sor.u32 s1, s0  }
0xbc: {  	s0 =	sadd.s32 $0x8F2B, s0  }
0xbd: {  	[sflag:s0] =	ssyncadd.remote.s32 $0x1  }
0xbe: {  	_ =	sfence.sel $0xFFFF  }
0xbf: {  	[dreg:$0x0] =	wrdreg $0xFFFFFFFF;
	(pc) =	sbr.abs _section_cstart, $3  }
0xc0: {  	[dreg:$0x1] =	wrdreg $0xFFFFFFFF  }
0xc1: {  	_ =	task.clear_ibuf [dreg:s7], $0x2FFFF;
	_ =	strace $0x9FFFFFFF  }
0xc2: {  	(tm) =	ssettm $0x7FFFFFFF  }
0xc3: {  	_ =	shalt  }
tec
execute0_lowered:
.L_overlay_start_1:
0x0: {  	(tag) =	ssettag $0x1  }
0x1: {  	s0 =	rddreg [dreg:$0x0];
	s1 =	srdreg.scid  }
0x2: {  	s3 =	stileid.u32;
	s2 =	rddreg [dreg:$0x1];
	s24 =	simm.s32 $0xE400  }
0x3: {  	s17 =	simm.s32 $0x10400;
	s25 =	simm.s32 $0x12400;
	s19 =	simm.s32 $0x4  }
0x4: {  	s20 =	simm.s32 $0x14400;
	s1 =	sand.u32 $0x1, s1;
	s4 =	sshll.u32 s3, $0x1  }
0x5: {  	s3 =	simm.s32 $0x0;
	s7 =	sadd.s32 $0x1000, s2;
	s8 =	sadd.s32 $0x2000, s2  }
0x6: {  	s9 =	sadd.s32 $0x3000, s2;
	s10 =	sadd.s32 $0x4000, s2;
	s5 =	sor.u32 s1, s4  }
0x7: {  	s11 =	sadd.s32 $0x5000, s2;
	s12 =	sadd.s32 $0x6000, s2;
	s4 =	smul.u32 $0xC80, s5  }
.Ltmp0:
0x8: {  	s13 =	sadd.s32 $0x7000, s2;
	s1 =	ssub.s32 $0x2, s1;
	(pc) =	sbr.rel .LBB2_1-.Ltmp0, $4  }
0x9: {  	v0 =	vlaneseq.u32;
	[smem:$0x7FF] =	sst s3;
	s30 =	sshrl.u32 s1, $0x1;
	s6 =	sadd.s32 s4, s0  }
0xa: {  	v0 =	vmul.u32 $0x80, v0;
	s4 =	sadd.s32 $0xF42A00, s0;
	s0 =	ssub.s32 s1, s30;
	s31 =	sadd.s32 $0x600, s6  }
0xb: {  	_ =	strace $0x80000047;
	s0 =	smax.u32 s0, $0x1;
	[dreg:$0x3] =	wrdreg s31  }
0xc: {  	s5 =	smul.u32 $0xC8, s5;
	v1 =	vor.u32 $0x800, v0;
	v2 =	vor.u32 $0x1000, v0;
	v3 =	vor.u32 $0x1800, v0;
	s6 =	simm.s32 $0x0;
	[dreg:$0x4] =	wrdreg s0  }
.LBB2_12:
0xd: {  	s0 =	simm.s32 $0x5  }
0xe: {  	_ =	swait.ge [sflag:s0], $0x2000  }
0xf: {  	[sflag:s0] =	ssyncset.done $0x0  }
0x10: {  	s29 =	simm.s32 $0x6;
	[sflag:s0] =	ssyncadd.s32 $0xFFFFE000  }
0x11: {  	_ =	swait.ge [sflag:s29], $0x2000  }
0x12: {  	[sflag:s29] =	ssyncset.done $0x0  }
0x13: {  	s30 =	simm.s32 $0x7;
	[sflag:s29] =	ssyncadd.s32 $0xFFFFE000  }
0x14: {  	_ =	swait.ge [sflag:s30], $0x2000  }
0x15: {  	[sflag:s30] =	ssyncset.done $0x0  }
0x16: {  	s1 =	simm.s32 $0x8;
	[sflag:s30] =	ssyncadd.s32 $0xFFFFE000  }
0x17: {  	_ =	swait.ge [sflag:s1], $0x2000  }
0x18: {  	s6 =	rddreg [dreg:$0x5]  }
0x19: {  	s31 =	rddreg [dreg:$0x4];
	s6 =	sadd.s32 $0x1, s6  }
0x1a: {  	p0 =	sne.s32 s6, s31  }
.Ltmp1:
0x1b: {  	_ = 	snop;
	(pc) =	sbr.rel @!p0 .LBB2_13-.Ltmp1, $3  }
0x1c: {  	_ =	sdelay $0x1  }
0x1d: {  	[sflag:s1] =	ssyncset.done $0x0  }
0x1e: {  	[sflag:s1] =	ssyncadd.s32 $0xFFFFE000  }
.LBB2_1:
0x1f: {  	[dreg:$0x5] =	wrdreg s6  }
0x20: {  	s0 =	rddreg [dreg:$0x3];
	s21 =	simm.s32 $0x9  }
0x21: {  	[tilespmem:s3], [sflag:$0x9] =	stream.linear.gather [hbm4b:s0+s3], $0x6400, $0x38;
	[tilespmem:$0x16400] =	vst v63  }
0x22: {  	_ =	swait.ge [sflag:s21], $0x6400  }
0x23: {  	[sflag:s21] =	ssyncset.done $0x0  }
0x24: {  	s22 =	simm.s32 $0x80;
	s1 =	simm.s32 $0x6400;
	[sflag:s21] =	ssyncadd.s32 $0xFFFF9C00  }
0x25: {  	[tilespmem:s1], [sflag:$0x1] =	stream.indirect.gather [hbm4b:s4+s22], $0x40, s3, s22, $0xb8;
	[tilespmem:$0x16400] =	vst v63  }
0x26: {  	s23 =	simm.s32 $0x8400  }
0x27: {  	[tilespmem:s23], [sflag:$0x2] =	stream.indirect.gather [hbm4b:s4+s22], $0x40, s22, s22, $0xb8;
	[tilespmem:$0x16400] =	vst v63  }
0x28: {  	s26 =	simm.s32 $0x100;
	s28 =	simm.s32 $0xA400  }
0x29: {  	[tilespmem:s28], [sflag:$0x3] =	stream.indirect.gather [hbm4b:s4+s22], $0x40, s26, s22, $0xb8;
	[tilespmem:$0x16400] =	vst v63  }
0x2a: {  	s29 =	simm.s32 $0x180;
	s31 =	simm.s32 $0xC400;
	s30 =	simm.s32 $0x0  }
0x2b: {  	[tilespmem:s31], [sflag:$0x4] =	stream.indirect.gather [hbm4b:s4+s22], $0x40, s29, s22, $0xb8;
	[tilespmem:$0x16400] =	vst v63  }
.LBB2_2:
0x2c: {  	s0 =	simm.s32 $0x1  }
0x2d: {  	_ =	swait.ge [sflag:s0], $0x2000  }
0x2e: {  	p0 =	seq.s32 s30, $0x0;
	[sflag:s0] =	ssyncset.done $0x0  }
0x2f: {  	[sflag:s0] =	ssyncadd.s32 $0xFFFFE000;
	s0 =	simm.s32 @!p0 $0x5  }
0x30: {  	_ =	swait.ge @!p0 [sflag:s0], $0x2000  }
0x31: {  	[sflag:s0] =	ssyncset.done @!p0 $0x0  }
0x32: {  	s15 =	simm.s32 $0x6500;
	s22 =	simm.s32 $0x7;
	[sflag:s0] =	ssyncadd.s32 @!p0 $0xFFFFE000  }
0x33: {  	s18 =	simm.s32 $0x0;
	v4 =	vor.u32 s22, v0;
	v5 =	vld [tilespmem:s15+$0xC0]  }
0x34: {  	s14 =	simm.s32 $0x1;
	v6 =	vor.u32 s18, v0;
	v7 =	vld [tilespmem:s15+$0xFFFFFF00]  }
0x35: {  	s16 =	simm.s32 $0x2;
	v8 =	vor.u32 s14, v0;
	v9 =	vld [tilespmem:s15+$0xFFFFFF40]  }
0x36: {  	s1 =	simm.s32 $0x3;
	v10 =	vor.u32 s16, v0;
	v11 =	vld [tilespmem:s15+$0xFFFFFF80]  }
0x37: {  	s29 =	simm.s32 $0x4;
	v12 =	vor.u32 s1, v0;
	v13 =	vld [tilespmem:s15+$0xFFFFFFC0]  }
0x38: {  	s6 =	simm.s32 $0x5;
	v14 =	vor.u32 s29, v0;
	v15 =	vld [tilespmem:s15+$0x0];
	[tilespmem:v4+s24+$0x0] =	vst.idx.msk $0xffff, v5  }
0x39: {  	[tilespmem:v6+s24+$0x0] =	vst.idx.msk $0xffff, v7;
	v6 =	vor.u32 s6, v0;
	v7 =	vld [tilespmem:s15+$0x40]  }
0x3a: {  	s21 =	simm.s32 $0x6;
	v4 =	vor.u32 s22, v1;
	[tilespmem:v8+s24+$0x0] =	vst.idx.msk $0xffff, v9;
	v5 =	vld [tilespmem:s15+$0xD0]  }
0x3b: {  	[tilespmem:v10+s24+$0x0] =	vst.idx.msk $0xffff, v11;
	v8 =	vor.u32 s21, v0;
	v9 =	vld [tilespmem:s15+$0x80]  }
0x3c: {  	v10 =	vor.u32 s14, v1;
	[tilespmem:v12+s24+$0x0] =	vst.idx.msk $0xffff, v13;
	v11 =	vld [tilespmem:s15+$0xFFFFFF50]  }
0x3d: {  	v12 =	vor.u32 s16, v1;
	[tilespmem:v14+s24+$0x0] =	vst.idx.msk $0xffff, v15;
	v13 =	vld [tilespmem:s15+$0xFFFFFF90]  }
0x3e: {  	v14 =	vor.u32 s1, v1;
	v15 =	vld [tilespmem:s15+$0xFFFFFFD0];
	[tilespmem:v6+s24+$0x0] =	vst.idx.msk $0xffff, v7  }
0x3f: {  	v6 =	vor.u32 s29, v1;
	v7 =	vld [tilespmem:s15+$0x10];
	[tilespmem:v4+s24+$0x0] =	vst.idx.msk $0xffff, v5  }
0x40: {  	[tilespmem:v8+s24+$0x0] =	vst.idx.msk $0xffff, v9;
	v4 =	vor.u32 s22, v2;
	v5 =	vld [tilespmem:s15+$0xE0]  }
0x41: {  	v8 =	vor.u32 s6, v1;
	[tilespmem:v10+s24+$0x0] =	vst.idx.msk $0xffff, v11;
	v9 =	vld [tilespmem:s15+$0x50]  }
0x42: {  	[tilespmem:v12+s24+$0x0] =	vst.idx.msk $0xffff, v13;
	v10 =	vor.u32 s21, v1;
	v11 =	vld [tilespmem:s15+$0x90]  }
0x43: {  	v12 =	vor.u32 s18, v1;
	v13 =	vld [tilespmem:s15+$0xFFFFFF10];
	[tilespmem:v14+s24+$0x0] =	vst.idx.msk $0xffff, v15  }
0x44: {  	v14 =	vor.u32 s14, v2;
	v15 =	vld [tilespmem:s15+$0xFFFFFF60];
	[tilespmem:v6+s24+$0x0] =	vst.idx.msk $0xffff, v7  }
0x45: {  	v6 =	vor.u32 s16, v2;
	v7 =	vld [tilespmem:s15+$0xFFFFFFA0];
	[tilespmem:v4+s24+$0x0] =	vst.idx.msk $0xffff, v5  }
0x46: {  	[tilespmem:v8+s24+$0x0] =	vst.idx.msk $0xffff, v9;
	v4 =	vor.u32 s22, v3;
	v5 =	vld [tilespmem:s15+$0xF0]  }
0x47: {  	v8 =	vor.u32 s1, v2;
	v9 =	vld [tilespmem:s15+$0xFFFFFFE0];
	[tilespmem:v10+s24+$0x0] =	vst.idx.msk $0xffff, v11  }
0x48: {  	[tilespmem:v12+s24+$0x0] =	vst.idx.msk $0xffff, v13;
	v10 =	vor.u32 s29, v2;
	v11 =	vld [tilespmem:s15+$0x20]  }
0x49: {  	v12 =	vor.u32 s6, v2;
	[tilespmem:v14+s24+$0x0] =	vst.idx.msk $0xffff, v15;
	v13 =	vld [tilespmem:s15+$0x60]  }
0x4a: {  	v14 =	vor.u32 s21, v2;
	v15 =	vld [tilespmem:s15+$0xA0];
	[tilespmem:v6+s24+$0x0] =	vst.idx.msk $0xffff, v7  }
0x4b: {  	v16 =	vld [tilespmem:s15+$0xFFFFFF20];
	[tilespmem:v4+s24+$0x0] =	vst.idx.msk $0xffff, v5;
	v5 =	vor.u32 s18, v2  }
0x4c: {  	v6 =	vor.u32 s14, v3;
	v7 =	vld [tilespmem:s15+$0xFFFFFF70];
	[tilespmem:v8+s24+$0x0] =	vst.idx.msk $0xffff, v9  }
0x4d: {  	v17 =	vor.u32 s16, v3;
	v18 =	vld [tilespmem:s15+$0xFFFFFFB0];
	[tilespmem:v10+s24+$0x0] =	vst.idx.msk $0xffff, v11  }
0x4e: {  	v11 =	vld [tilespmem:s15+$0xFFFFFFF0];
	[tilespmem:v12+s24+$0x0] =	vst.idx.msk $0xffff, v13;
	v13 =	vor.u32 s1, v3  }
0x4f: {  	[tilespmem:v14+s24+$0x0] =	vst.idx.msk $0xffff, v15;
	v12 =	vor.u32 s29, v3;
	v4 =	vld [tilespmem:s15+$0x30]  }
0x50: {  	v10 =	vor.u32 s6, v3;
	[tilespmem:v5+s24+$0x0] =	vst.idx.msk $0xffff, v16;
	v5 =	vld [tilespmem:s15+$0x70]  }
0x51: {  	s31 =	sshll.u32 s30, $0x2;
	s14 =	simm.s32 $0x10;
	v8 =	vor.u32 s21, v3;
	[tilespmem:v6+s24+$0x0] =	vst.idx.msk $0xffff, v7;
	v7 =	vld [tilespmem:s15+$0xB0]  }
0x52: {  	s6 =	simm.s32 $0xF;
	s1 =	simm.s32 $0x8;
	v6 =	vor.u32 s18, v3;
	s18 =	simm.s32 $0x6700;
	[tilespmem:v17+s24+$0x0] =	vst.idx.msk $0xffff, v18;
	v9 =	vld [tilespmem:s15+$0xFFFFFF30]  }
.LBB2_3:
0x53: {  	p1 =	slt.u32 s14, $0x78;
	v14 =	vor.u32 s6, v0;
	v15 =	vld [tilespmem:s18+$0xC0];
	[tilespmem:v13+s24+$0x0] =	vst.idx.msk $0xffff, v11;
	s15 =	smov.u32 s1;
	s1 =	smov.u32 s14  }
0x54: {  	v11 =	vor.u32 s15, v0;
	v13 =	vld [tilespmem:s18+$0xFFFFFF00];
	s21 =	sadd.s32 $0x1, s15;
	[tilespmem:v12+s24+$0x0] =	vst.idx.msk $0xffff, v4  }
0x55: {  	s26 =	sadd.s32 $0x2, s15;
	v4 =	vor.u32 s21, v0;
	v12 =	vld [tilespmem:s18+$0xFFFFFF40];
	[tilespmem:v10+s24+$0x0] =	vst.idx.msk $0xffff, v5  }
0x56: {  	s28 =	sadd.s32 $0x3, s15;
	v5 =	vor.u32 s26, v0;
	v10 =	vld [tilespmem:s18+$0xFFFFFF80];
	[tilespmem:v8+s24+$0x0] =	vst.idx.msk $0xffff, v7  }
0x57: {  	s16 =	sadd.s32 $0x4, s15;
	v7 =	vor.u32 s28, v0;
	v8 =	vld [tilespmem:s18+$0xFFFFFFC0];
	[tilespmem:v6+s24+$0x0] =	vst.idx.msk $0xffff, v9  }
0x58: {  	v6 =	vor.u32 s16, v0;
	v9 =	vld [tilespmem:s18+$0x0];
	[tilespmem:v14+s24+$0x0] =	vst.idx.msk $0xffff, v15  }
0x59: {  	s23 =	sadd.s32 $0x5, s15;
	[tilespmem:v11+s24+$0x0] =	vst.idx.msk $0xffff, v13;
	v11 =	vor.u32 s6, v1;
	v13 =	vld [tilespmem:s18+$0xD0]  }
0x5a: {  	s0 =	sadd.s32 $0x6, s15;
	[tilespmem:v4+s24+$0x0] =	vst.idx.msk $0xffff, v12;
	v4 =	vor.u32 s23, v0;
	v12 =	vld [tilespmem:s18+$0x40]  }
0x5b: {  	[tilespmem:v5+s24+$0x0] =	vst.idx.msk $0xffff, v10;
	v5 =	vor.u32 s0, v0;
	v10 =	vld [tilespmem:s18+$0x80]  }
0x5c: {  	v14 =	vor.u32 s21, v1;
	v15 =	vld [tilespmem:s18+$0xFFFFFF50];
	[tilespmem:v7+s24+$0x0] =	vst.idx.msk $0xffff, v8  }
0x5d: {  	v7 =	vor.u32 s26, v1;
	v8 =	vld [tilespmem:s18+$0xFFFFFF90];
	[tilespmem:v6+s24+$0x0] =	vst.idx.msk $0xffff, v9  }
0x5e: {  	v6 =	vor.u32 s28, v1;
	v9 =	vld [tilespmem:s18+$0xFFFFFFD0];
	[tilespmem:v11+s24+$0x0] =	vst.idx.msk $0xffff, v13  }
0x5f: {  	[tilespmem:v4+s24+$0x0] =	vst.idx.msk $0xffff, v12;
	v4 =	vor.u32 s6, v2;
	v11 =	vld [tilespmem:s18+$0xE0]  }
0x60: {  	v12 =	vor.u32 s16, v1;
	v13 =	vld [tilespmem:s18+$0x10];
	[tilespmem:v5+s24+$0x0] =	vst.idx.msk $0xffff, v10  }
0x61: {  	v5 =	vor.u32 s23, v1;
	[tilespmem:v14+s24+$0x0] =	vst.idx.msk $0xffff, v15;
	v10 =	vld [tilespmem:s18+$0x50]  }
0x62: {  	[tilespmem:v7+s24+$0x0] =	vst.idx.msk $0xffff, v8;
	v7 =	vor.u32 s0, v1;
	v8 =	vld [tilespmem:s18+$0x90]  }
0x63: {  	v14 =	vor.u32 s15, v1;
	v15 =	vld [tilespmem:s18+$0xFFFFFF10];
	[tilespmem:v6+s24+$0x0] =	vst.idx.msk $0xffff, v9  }
0x64: {  	v6 =	vor.u32 s21, v2;
	v9 =	vld [tilespmem:s18+$0xFFFFFF60];
	[tilespmem:v4+s24+$0x0] =	vst.idx.msk $0xffff, v11  }
0x65: {  	v4 =	vor.u32 s6, v3;
	[tilespmem:v12+s24+$0x0] =	vst.idx.msk $0xffff, v13;
	v11 =	vld [tilespmem:s18+$0xF0]  }
0x66: {  	v12 =	vor.u32 s26, v2;
	v13 =	vld [tilespmem:s18+$0xFFFFFFA0];
	[tilespmem:v5+s24+$0x0] =	vst.idx.msk $0xffff, v10  }
0x67: {  	v5 =	vor.u32 s28, v2;
	v10 =	vld [tilespmem:s18+$0xFFFFFFE0];
	[tilespmem:v7+s24+$0x0] =	vst.idx.msk $0xffff, v8  }
0x68: {  	v7 =	vor.u32 s16, v2;
	[tilespmem:v14+s24+$0x0] =	vst.idx.msk $0xffff, v15;
	v8 =	vld [tilespmem:s18+$0x20]  }
0x69: {  	[tilespmem:v6+s24+$0x0] =	vst.idx.msk $0xffff, v9;
	v6 =	vor.u32 s23, v2;
	v9 =	vld [tilespmem:s18+$0x60]  }
0x6a: {  	v14 =	vor.u32 s0, v2;
	v15 =	vld [tilespmem:s18+$0xA0];
	[tilespmem:v4+s24+$0x0] =	vst.idx.msk $0xffff, v11  }
0x6b: {  	v16 =	vor.u32 s15, v2;
	v17 =	vld [tilespmem:s18+$0xFFFFFF20];
	[tilespmem:v12+s24+$0x0] =	vst.idx.msk $0xffff, v13  }
0x6c: {  	v18 =	vor.u32 s21, v3;
	v19 =	vld [tilespmem:s18+$0xFFFFFF70];
	[tilespmem:v5+s24+$0x0] =	vst.idx.msk $0xffff, v10  }
0x6d: {  	v20 =	vor.u32 s26, v3;
	v21 =	vld [tilespmem:s18+$0xFFFFFFB0];
	[tilespmem:v7+s24+$0x0] =	vst.idx.msk $0xffff, v8  }
.Ltmp2:
0x6e: {  	v13 =	vor.u32 s28, v3;
	v11 =	vld [tilespmem:s18+$0xFFFFFFF0];
	[tilespmem:v6+s24+$0x0] =	vst.idx.msk $0xffff, v9;
	(pc) =	sbr.rel @p1 .LBB2_3-.Ltmp2, $4  }
0x6f: {  	v12 =	vor.u32 s16, v3;
	v4 =	vld [tilespmem:s18+$0x30];
	[tilespmem:v14+s24+$0x0] =	vst.idx.msk $0xffff, v15  }
0x70: {  	v10 =	vor.u32 s23, v3;
	[tilespmem:v16+s24+$0x0] =	vst.idx.msk $0xffff, v17;
	v5 =	vld [tilespmem:s18+$0x70]  }
0x71: {  	v8 =	vor.u32 s0, v3;
	[tilespmem:v18+s24+$0x0] =	vst.idx.msk $0xffff, v19;
	v7 =	vld [tilespmem:s18+$0xB0]  }
0x72: {  	s14 =	sadd.s32 $0x8, s14;
	s6 =	sadd.s32 $0x7, s1;
	v6 =	vor.u32 s15, v3;
	v9 =	vld [tilespmem:s18+$0xFFFFFF30];
	[tilespmem:v20+s24+$0x0] =	vst.idx.msk $0xffff, v21;
	s18 =	sadd.s32 $0x200, s18  }
0x73: {  	_ =	sdelay $0x3  }
0x74: {  	v14 =	vor.u32 s6, v0;
	v15 =	vld [tilespmem:s18+$0xC0];
	[tilespmem:v13+s24+$0x0] =	vst.idx.msk $0xffff, v11  }
0x75: {  	v11 =	vor.u32 s1, v0;
	v13 =	vld [tilespmem:s18+$0xFFFFFF00];
	s0 =	sadd.s32 $0x1, s1;
	[tilespmem:v12+s24+$0x0] =	vst.idx.msk $0xffff, v4  }
0x76: {  	s14 =	sadd.s32 $0x2, s1;
	v4 =	vor.u32 s0, v0;
	v12 =	vld [tilespmem:s18+$0xFFFFFF40];
	[tilespmem:v10+s24+$0x0] =	vst.idx.msk $0xffff, v5  }
0x77: {  	s15 =	sadd.s32 $0x3, s1;
	v5 =	vor.u32 s14, v0;
	v10 =	vld [tilespmem:s18+$0xFFFFFF80];
	[tilespmem:v8+s24+$0x0] =	vst.idx.msk $0xffff, v7  }
0x78: {  	s16 =	sadd.s32 $0x4, s1;
	v7 =	vor.u32 s15, v0;
	v8 =	vld [tilespmem:s18+$0xFFFFFFC0];
	[tilespmem:v6+s24+$0x0] =	vst.idx.msk $0xffff, v9  }
0x79: {  	v6 =	vor.u32 s16, v0;
	v9 =	vld [tilespmem:s18+$0x0];
	[tilespmem:v14+s24+$0x0] =	vst.idx.msk $0xffff, v15  }
0x7a: {  	s21 =	sadd.s32 $0x5, s1;
	[tilespmem:v11+s24+$0x0] =	vst.idx.msk $0xffff, v13;
	v11 =	vor.u32 s6, v1;
	v13 =	vld [tilespmem:s18+$0xD0]  }
0x7b: {  	s22 =	sadd.s32 $0x6, s1;
	[tilespmem:v4+s24+$0x0] =	vst.idx.msk $0xffff, v12;
	v4 =	vor.u32 s21, v0;
	v12 =	vld [tilespmem:s18+$0x40]  }
0x7c: {  	[tilespmem:v5+s24+$0x0] =	vst.idx.msk $0xffff, v10;
	v5 =	vor.u32 s22, v0;
	v10 =	vld [tilespmem:s18+$0x80]  }
0x7d: {  	v14 =	vor.u32 s0, v1;
	v15 =	vld [tilespmem:s18+$0xFFFFFF50];
	[tilespmem:v7+s24+$0x0] =	vst.idx.msk $0xffff, v8  }
0x7e: {  	v7 =	vor.u32 s14, v1;
	v8 =	vld [tilespmem:s18+$0xFFFFFF90];
	[tilespmem:v6+s24+$0x0] =	vst.idx.msk $0xffff, v9  }
0x7f: {  	v6 =	vor.u32 s15, v1;
	v9 =	vld [tilespmem:s18+$0xFFFFFFD0];
	[tilespmem:v11+s24+$0x0] =	vst.idx.msk $0xffff, v13  }
0x80: {  	[tilespmem:v4+s24+$0x0] =	vst.idx.msk $0xffff, v12;
	v12 =	vor.u32 s16, v1;
	v13 =	vld [tilespmem:s18+$0x10]  }
0x81: {  	v4 =	vor.u32 s6, v2;
	v11 =	vld [tilespmem:s18+$0xE0];
	[tilespmem:v5+s24+$0x0] =	vst.idx.msk $0xffff, v10  }
0x82: {  	[tilespmem:v14+s24+$0x0] =	vst.idx.msk $0xffff, v15;
	v5 =	vor.u32 s21, v1;
	v10 =	vld [tilespmem:s18+$0x50]  }
0x83: {  	v14 =	vor.u32 s1, v1;
	v15 =	vld [tilespmem:s18+$0xFFFFFF10];
	[tilespmem:v7+s24+$0x0] =	vst.idx.msk $0xffff, v8  }
0x84: {  	v7 =	vor.u32 s22, v1;
	v8 =	vld [tilespmem:s18+$0x90];
	[tilespmem:v6+s24+$0x0] =	vst.idx.msk $0xffff, v9  }
0x85: {  	v6 =	vor.u32 s0, v2;
	v9 =	vld [tilespmem:s18+$0xFFFFFF60];
	[tilespmem:v12+s24+$0x0] =	vst.idx.msk $0xffff, v13  }
0x86: {  	v12 =	vor.u32 s14, v2;
	v13 =	vld [tilespmem:s18+$0xFFFFFFA0];
	[tilespmem:v4+s24+$0x0] =	vst.idx.msk $0xffff, v11  }
0x87: {  	[tilespmem:v5+s24+$0x0] =	vst.idx.msk $0xffff, v10;
	v5 =	vor.u32 s15, v2;
	v10 =	vld [tilespmem:s18+$0xFFFFFFE0]  }
0x88: {  	v4 =	vor.u32 s6, v3;
	[tilespmem:v14+s24+$0x0] =	vst.idx.msk $0xffff, v15;
	v11 =	vld [tilespmem:s18+$0xF0]  }
0x89: {  	[tilespmem:v7+s24+$0x0] =	vst.idx.msk $0xffff, v8;
	v7 =	vor.u32 s16, v2;
	v8 =	vld [tilespmem:s18+$0x20]  }
0x8a: {  	[tilespmem:v6+s24+$0x0] =	vst.idx.msk $0xffff, v9;
	v6 =	vor.u32 s21, v2;
	v9 =	vld [tilespmem:s18+$0x60]  }
0x8b: {  	v14 =	vor.u32 s22, v2;
	v15 =	vld [tilespmem:s18+$0xA0];
	[tilespmem:v12+s24+$0x0] =	vst.idx.msk $0xffff, v13  }
0x8c: {  	v12 =	vor.u32 s0, v3;
	v13 =	vld [tilespmem:s18+$0xFFFFFF70];
	[tilespmem:v5+s24+$0x0] =	vst.idx.msk $0xffff, v10  }
0x8d: {  	[tilespmem:v4+s24+$0x0] =	vst.idx.msk $0xffff, v11;
	v4 =	vor.u32 s1, v2;
	v11 =	vld [tilespmem:s18+$0xFFFFFF20]  }
0x8e: {  	v5 =	vor.u32 s14, v3;
	v10 =	vld [tilespmem:s18+$0xFFFFFFB0];
	[tilespmem:v7+s24+$0x0] =	vst.idx.msk $0xffff, v8  }
0x8f: {  	v7 =	vor.u32 s15, v3;
	v8 =	vld [tilespmem:s18+$0xFFFFFFF0];
	[tilespmem:v6+s24+$0x0] =	vst.idx.msk $0xffff, v9  }
0x90: {  	v6 =	vor.u32 s16, v3;
	v9 =	vld [tilespmem:s18+$0x30];
	[tilespmem:v14+s24+$0x0] =	vst.idx.msk $0xffff, v15  }
0x91: {  	[tilespmem:v12+s24+$0x0] =	vst.idx.msk $0xffff, v13;
	v12 =	vor.u32 s22, v3;
	v13 =	vld [tilespmem:s18+$0xB0]  }
0x92: {  	[tilespmem:v4+s24+$0x0] =	vst.idx.msk $0xffff, v11;
	v4 =	vor.u32 s21, v3;
	v11 =	vld [tilespmem:s18+$0x70]  }
0x93: {  	v14 =	vor.u32 s1, v3;
	[tilespmem:v5+s24+$0x0] =	vst.idx.msk $0xffff, v10;
	v15 =	vld [tilespmem:s18+$0xFFFFFF30]  }
0x94: {  	s23 =	sadd.s32 s5, s31;
	[tilespmem:v7+s24+$0x0] =	vst.idx.msk $0xffff, v8  }
0x95: {  	s26 =	sshll.u32 s23, $0xA;
	s0 =	sshll.u32 s23, $0x7;
	[tilespmem:v6+s24+$0x0] =	vst.idx.msk $0xffff, v9  }
0x96: {  	s0 =	sand.u32 $0xE00, s0;
	s1 =	sand.u32 $0xFFF8000, s26;
	[tilespmem:v12+s24+$0x0] =	vst.idx.msk $0xffff, v13  }
0x97: {  	s0 =	sor.u32 s0, s1;
	[tilespmem:v4+s24+$0x0] =	vst.idx.msk $0xffff, v11  }
0x98: {  	s1 =	sadd.s32 s2, s0;
	[tilespmem:v14+s24+$0x0] =	vst.idx.msk $0xffff, v15  }
0x99: {  	[hbm4b:s1+s3] =	stream.linear.scatter [tilespmem:s24], [sflag:$0x5], $0x400, $0x38;
	[tilespmem:$0x16400] =	vst v63  }
0x9a: {  	s29 =	simm.s32 $0xE800;
	s28 =	sadd.s32 s0, s7  }
0x9b: {  	[hbm4b:s28+s3] =	stream.linear.scatter [tilespmem:s29], [sflag:$0x5], $0x400, $0x38;
	[tilespmem:$0x16400] =	vst v63  }
0x9c: {  	s14 =	simm.s32 $0xEC00;
	s6 =	sadd.s32 s0, s8  }
0x9d: {  	[hbm4b:s6+s3] =	stream.linear.scatter [tilespmem:s14], [sflag:$0x5], $0x400, $0x38;
	[tilespmem:$0x16400] =	vst v63  }
0x9e: {  	s16 =	simm.s32 $0xF000;
	s15 =	sadd.s32 s0, s9  }
0x9f: {  	[hbm4b:s15+s3] =	stream.linear.scatter [tilespmem:s16], [sflag:$0x5], $0x400, $0x38;
	[tilespmem:$0x16400] =	vst v63  }
0xa0: {  	s21 =	simm.s32 $0xF400;
	s18 =	sadd.s32 s0, s10  }
0xa1: {  	[hbm4b:s18+s3] =	stream.linear.scatter [tilespmem:s21], [sflag:$0x5], $0x400, $0x38;
	[tilespmem:$0x16400] =	vst v63  }
0xa2: {  	s23 =	simm.s32 $0xF800;
	s22 =	sadd.s32 s0, s11  }
0xa3: {  	[hbm4b:s22+s3] =	stream.linear.scatter [tilespmem:s23], [sflag:$0x5], $0x400, $0x38;
	[tilespmem:$0x16400] =	vst v63  }
0xa4: {  	s26 =	sadd.s32 s0, s12;
	s28 =	simm.s32 $0xFC00  }
0xa5: {  	[hbm4b:s26+s3] =	stream.linear.scatter [tilespmem:s28], [sflag:$0x5], $0x400, $0x38;
	[tilespmem:$0x16400] =	vst v63  }
0xa6: {  	p1 =	seq.s32 s30, $0x31;
	s0 =	sadd.s32 s0, s13;
	s29 =	simm.s32 $0x10000  }
0xa7: {  	[hbm4b:s0+s3] =	stream.linear.scatter [tilespmem:s29], [sflag:$0x5], $0x400, $0x38;
	[tilespmem:$0x16400] =	vst v63  }
0xa8: {  	s0 =	sshll.u32 @!p1 s30, $0x9  }
0xa9: {  	s1 =	sand.u32 @!p1 $0x3FFFFE00, s0  }
0xaa: {  	s6 =	simm.s32 @!p1 $0x80;
	s14 =	simm.s32 @!p1 $0x6400;
	s0 =	sadd.s32 @!p1 $0x200, s1  }
0xab: {  	[tilespmem:s14], [sflag:$0x1] =	stream.indirect.gather @!p1 [hbm4b:s4+s6], $0x40, s0, s6, $0xb8;
	[tilespmem:$0x16400] =	vst v63  }
0xac: {  	s6 =	simm.s32 $0x2  }
0xad: {  	_ =	swait.ge [sflag:s6], $0x2000  }
0xae: {  	[sflag:s6] =	ssyncset.done $0x0  }
0xaf: {  	s0 =	simm.s32 @!p0 $0x6;
	[sflag:s6] =	ssyncadd.s32 $0xFFFFE000  }
0xb0: {  	_ =	swait.ge @!p0 [sflag:s0], $0x2000  }
0xb1: {  	[sflag:s0] =	ssyncset.done @!p0 $0x0  }
0xb2: {  	s23 =	simm.s32 $0x7;
	s6 =	simm.s32 $0x8500;
	[sflag:s0] =	ssyncadd.s32 @!p0 $0xFFFFE000  }
0xb3: {  	s15 =	simm.s32 $0x0;
	v4 =	vor.u32 s23, v0;
	v5 =	vld [tilespmem:s6+$0xC0]  }
0xb4: {  	v6 =	vor.u32 s15, v0;
	s14 =	simm.s32 $0x1;
	v7 =	vld [tilespmem:s6+$0xFFFFFF00]  }
0xb5: {  	s16 =	simm.s32 $0x2;
	v8 =	vor.u32 s14, v0;
	v9 =	vld [tilespmem:s6+$0xFFFFFF40]  }
0xb6: {  	v10 =	vor.u32 s16, v0;
	s22 =	simm.s32 $0x3;
	v11 =	vld [tilespmem:s6+$0xFFFFFF80]  }
0xb7: {  	v12 =	vor.u32 s22, v0;
	s26 =	simm.s32 $0x4;
	v13 =	vld [tilespmem:s6+$0xFFFFFFC0]  }
0xb8: {  	s28 =	simm.s32 $0x5;
	v14 =	vor.u32 s26, v0;
	v15 =	vld [tilespmem:s6+$0x0];
	[tilespmem:v4+s17+$0x0] =	vst.idx.msk $0xffff, v5  }
0xb9: {  	s29 =	simm.s32 $0x6;
	[tilespmem:v6+s17+$0x0] =	vst.idx.msk $0xffff, v7;
	v6 =	vor.u32 s28, v0;
	v7 =	vld [tilespmem:s6+$0x40]  }
0xba: {  	[tilespmem:v8+s17+$0x0] =	vst.idx.msk $0xffff, v9;
	v8 =	vor.u32 s29, v0;
	v9 =	vld [tilespmem:s6+$0x80]  }
0xbb: {  	v4 =	vor.u32 s23, v1;
	[tilespmem:v10+s17+$0x0] =	vst.idx.msk $0xffff, v11;
	v5 =	vld [tilespmem:s6+$0xD0]  }
0xbc: {  	v10 =	vor.u32 s14, v1;
	[tilespmem:v12+s17+$0x0] =	vst.idx.msk $0xffff, v13;
	v11 =	vld [tilespmem:s6+$0xFFFFFF50]  }
0xbd: {  	v12 =	vor.u32 s16, v1;
	[tilespmem:v14+s17+$0x0] =	vst.idx.msk $0xffff, v15;
	v13 =	vld [tilespmem:s6+$0xFFFFFF90]  }
0xbe: {  	v14 =	vor.u32 s22, v1;
	v15 =	vld [tilespmem:s6+$0xFFFFFFD0];
	[tilespmem:v6+s17+$0x0] =	vst.idx.msk $0xffff, v7  }
0xbf: {  	v6 =	vor.u32 s26, v1;
	v7 =	vld [tilespmem:s6+$0x10];
	[tilespmem:v8+s17+$0x0] =	vst.idx.msk $0xffff, v9  }
0xc0: {  	v8 =	vor.u32 s28, v1;
	[tilespmem:v4+s17+$0x0] =	vst.idx.msk $0xffff, v5;
	v9 =	vld [tilespmem:s6+$0x50]  }
0xc1: {  	v4 =	vor.u32 s23, v2;
	[tilespmem:v10+s17+$0x0] =	vst.idx.msk $0xffff, v11;
	v5 =	vld [tilespmem:s6+$0xE0]  }
0xc2: {  	[tilespmem:v12+s17+$0x0] =	vst.idx.msk $0xffff, v13;
	v10 =	vor.u32 s29, v1;
	v11 =	vld [tilespmem:s6+$0x90]  }
0xc3: {  	v12 =	vor.u32 s15, v1;
	v13 =	vld [tilespmem:s6+$0xFFFFFF10];
	[tilespmem:v14+s17+$0x0] =	vst.idx.msk $0xffff, v15  }
0xc4: {  	v14 =	vor.u32 s14, v2;
	v15 =	vld [tilespmem:s6+$0xFFFFFF60];
	[tilespmem:v6+s17+$0x0] =	vst.idx.msk $0xffff, v7  }
0xc5: {  	v6 =	vor.u32 s16, v2;
	v7 =	vld [tilespmem:s6+$0xFFFFFFA0];
	[tilespmem:v8+s17+$0x0] =	vst.idx.msk $0xffff, v9  }
0xc6: {  	v8 =	vor.u32 s22, v2;
	v9 =	vld [tilespmem:s6+$0xFFFFFFE0];
	[tilespmem:v4+s17+$0x0] =	vst.idx.msk $0xffff, v5  }
0xc7: {  	[tilespmem:v10+s17+$0x0] =	vst.idx.msk $0xffff, v11;
	v4 =	vor.u32 s23, v3;
	v5 =	vld [tilespmem:s6+$0xF0]  }
0xc8: {  	[tilespmem:v12+s17+$0x0] =	vst.idx.msk $0xffff, v13;
	v10 =	vor.u32 s26, v2;
	v11 =	vld [tilespmem:s6+$0x20]  }
0xc9: {  	v13 =	vor.u32 s28, v2;
	[tilespmem:v14+s17+$0x0] =	vst.idx.msk $0xffff, v15;
	v14 =	vld [tilespmem:s6+$0x60]  }
0xca: {  	v15 =	vor.u32 s29, v2;
	v16 =	vld [tilespmem:s6+$0xA0];
	[tilespmem:v6+s17+$0x0] =	vst.idx.msk $0xffff, v7  }
0xcb: {  	v18 =	vld [tilespmem:s6+$0xFFFFFF70];
	v7 =	vor.u32 s14, v3;
	[tilespmem:v8+s17+$0x0] =	vst.idx.msk $0xffff, v9  }
0xcc: {  	v17 =	vld [tilespmem:s6+$0xFFFFFF20];
	[tilespmem:v4+s17+$0x0] =	vst.idx.msk $0xffff, v5;
	v4 =	vor.u32 s15, v2  }
0xcd: {  	v19 =	vor.u32 s16, v3;
	v20 =	vld [tilespmem:s6+$0xFFFFFFB0];
	[tilespmem:v10+s17+$0x0] =	vst.idx.msk $0xffff, v11  }
0xce: {  	v12 =	vld [tilespmem:s6+$0xFFFFFFF0];
	[tilespmem:v13+s17+$0x0] =	vst.idx.msk $0xffff, v14;
	v13 =	vor.u32 s22, v3  }
0xcf: {  	v11 =	vor.u32 s26, v3;
	[tilespmem:v15+s17+$0x0] =	vst.idx.msk $0xffff, v16;
	v5 =	vld [tilespmem:s6+$0x30]  }
0xd0: {  	v9 =	vor.u32 s28, v3;
	v6 =	vld [tilespmem:s6+$0x70];
	[tilespmem:v7+s17+$0x0] =	vst.idx.msk $0xffff, v18  }
0xd1: {  	s18 =	sor.u32 $0x1, s31;
	s21 =	simm.s32 $0x8;
	v8 =	vor.u32 s29, v3;
	v7 =	vld [tilespmem:s6+$0xB0];
	[tilespmem:v4+s17+$0x0] =	vst.idx.msk $0xffff, v17  }
0xd2: {  	s14 =	simm.s32 $0xF;
	[tilespmem:v19+s17+$0x0] =	vst.idx.msk $0xffff, v20;
	v4 =	vor.u32 s15, v3;
	s15 =	simm.s32 $0x10;
	v10 =	vld [tilespmem:s6+$0xFFFFFF30];
	s6 =	simm.s32 $0x8700  }
.LBB2_5:
0xd3: {  	p2 =	slt.u32 s15, $0x78;
	v14 =	vor.u32 s14, v0;
	v15 =	vld [tilespmem:s6+$0xC0];
	[tilespmem:v13+s17+$0x0] =	vst.idx.msk $0xffff, v12;
	s26 =	smov.u32 s21;
	s21 =	smov.u32 s15  }
0xd4: {  	v12 =	vor.u32 s26, v0;
	v13 =	vld [tilespmem:s6+$0xFFFFFF00];
	s28 =	sadd.s32 $0x1, s26;
	[tilespmem:v11+s17+$0x0] =	vst.idx.msk $0xffff, v5  }
0xd5: {  	s29 =	sadd.s32 $0x2, s26;
	v5 =	vor.u32 s28, v0;
	v11 =	vld [tilespmem:s6+$0xFFFFFF40];
	[tilespmem:v9+s17+$0x0] =	vst.idx.msk $0xffff, v6  }
0xd6: {  	s16 =	sadd.s32 $0x3, s26;
	v6 =	vor.u32 s29, v0;
	v9 =	vld [tilespmem:s6+$0xFFFFFF80];
	[tilespmem:v8+s17+$0x0] =	vst.idx.msk $0xffff, v7  }
0xd7: {  	s23 =	sadd.s32 $0x4, s26;
	v7 =	vor.u32 s16, v0;
	v8 =	vld [tilespmem:s6+$0xFFFFFFC0];
	[tilespmem:v4+s17+$0x0] =	vst.idx.msk $0xffff, v10  }
0xd8: {  	v4 =	vor.u32 s23, v0;
	v10 =	vld [tilespmem:s6+$0x0];
	[tilespmem:v14+s17+$0x0] =	vst.idx.msk $0xffff, v15  }
0xd9: {  	s0 =	sadd.s32 $0x5, s26;
	[tilespmem:v12+s17+$0x0] =	vst.idx.msk $0xffff, v13;
	v12 =	vor.u32 s14, v1;
	v13 =	vld [tilespmem:s6+$0xD0]  }
0xda: {  	s22 =	sadd.s32 $0x6, s26;
	[tilespmem:v5+s17+$0x0] =	vst.idx.msk $0xffff, v11;
	v5 =	vor.u32 s0, v0;
	v11 =	vld [tilespmem:s6+$0x40]  }
0xdb: {  	[tilespmem:v6+s17+$0x0] =	vst.idx.msk $0xffff, v9;
	v6 =	vor.u32 s22, v0;
	v9 =	vld [tilespmem:s6+$0x80]  }
0xdc: {  	v14 =	vor.u32 s28, v1;
	v15 =	vld [tilespmem:s6+$0xFFFFFF50];
	[tilespmem:v7+s17+$0x0] =	vst.idx.msk $0xffff, v8  }
0xdd: {  	v7 =	vor.u32 s29, v1;
	v8 =	vld [tilespmem:s6+$0xFFFFFF90];
	[tilespmem:v4+s17+$0x0] =	vst.idx.msk $0xffff, v10  }
0xde: {  	v4 =	vor.u32 s16, v1;
	v10 =	vld [tilespmem:s6+$0xFFFFFFD0];
	[tilespmem:v12+s17+$0x0] =	vst.idx.msk $0xffff, v13  }
0xdf: {  	[tilespmem:v5+s17+$0x0] =	vst.idx.msk $0xffff, v11;
	v5 =	vor.u32 s14, v2;
	v11 =	vld [tilespmem:s6+$0xE0]  }
0xe0: {  	v12 =	vor.u32 s23, v1;
	v13 =	vld [tilespmem:s6+$0x10];
	[tilespmem:v6+s17+$0x0] =	vst.idx.msk $0xffff, v9  }
0xe1: {  	v6 =	vor.u32 s0, v1;
	[tilespmem:v14+s17+$0x0] =	vst.idx.msk $0xffff, v15;
	v9 =	vld [tilespmem:s6+$0x50]  }
0xe2: {  	[tilespmem:v7+s17+$0x0] =	vst.idx.msk $0xffff, v8;
	v7 =	vor.u32 s22, v1;
	v8 =	vld [tilespmem:s6+$0x90]  }
0xe3: {  	v14 =	vor.u32 s26, v1;
	v15 =	vld [tilespmem:s6+$0xFFFFFF10];
	[tilespmem:v4+s17+$0x0] =	vst.idx.msk $0xffff, v10  }
0xe4: {  	v4 =	vor.u32 s28, v2;
	v10 =	vld [tilespmem:s6+$0xFFFFFF60];
	[tilespmem:v5+s17+$0x0] =	vst.idx.msk $0xffff, v11  }
0xe5: {  	v5 =	vor.u32 s14, v3;
	[tilespmem:v12+s17+$0x0] =	vst.idx.msk $0xffff, v13;
	v11 =	vld [tilespmem:s6+$0xF0]  }
0xe6: {  	v12 =	vor.u32 s29, v2;
	v13 =	vld [tilespmem:s6+$0xFFFFFFA0];
	[tilespmem:v6+s17+$0x0] =	vst.idx.msk $0xffff, v9  }
0xe7: {  	v6 =	vor.u32 s16, v2;
	v9 =	vld [tilespmem:s6+$0xFFFFFFE0];
	[tilespmem:v7+s17+$0x0] =	vst.idx.msk $0xffff, v8  }
0xe8: {  	v7 =	vor.u32 s23, v2;
	[tilespmem:v14+s17+$0x0] =	vst.idx.msk $0xffff, v15;
	v8 =	vld [tilespmem:s6+$0x20]  }
0xe9: {  	[tilespmem:v4+s17+$0x0] =	vst.idx.msk $0xffff, v10;
	v4 =	vor.u32 s0, v2;
	v10 =	vld [tilespmem:s6+$0x60]  }
0xea: {  	v14 =	vor.u32 s22, v2;
	v15 =	vld [tilespmem:s6+$0xA0];
	[tilespmem:v5+s17+$0x0] =	vst.idx.msk $0xffff, v11  }
0xeb: {  	v16 =	vor.u32 s26, v2;
	v17 =	vld [tilespmem:s6+$0xFFFFFF20];
	[tilespmem:v12+s17+$0x0] =	vst.idx.msk $0xffff, v13  }
0xec: {  	v18 =	vor.u32 s28, v3;
	v19 =	vld [tilespmem:s6+$0xFFFFFF70];
	[tilespmem:v6+s17+$0x0] =	vst.idx.msk $0xffff, v9  }
0xed: {  	v20 =	vor.u32 s29, v3;
	v21 =	vld [tilespmem:s6+$0xFFFFFFB0];
	[tilespmem:v7+s17+$0x0] =	vst.idx.msk $0xffff, v8  }
.Ltmp3:
0xee: {  	v13 =	vor.u32 s16, v3;
	v12 =	vld [tilespmem:s6+$0xFFFFFFF0];
	[tilespmem:v4+s17+$0x0] =	vst.idx.msk $0xffff, v10;
	(pc) =	sbr.rel @p2 .LBB2_5-.Ltmp3, $4  }
0xef: {  	v11 =	vor.u32 s23, v3;
	v5 =	vld [tilespmem:s6+$0x30];
	[tilespmem:v14+s17+$0x0] =	vst.idx.msk $0xffff, v15  }
0xf0: {  	v9 =	vor.u32 s0, v3;
	[tilespmem:v16+s17+$0x0] =	vst.idx.msk $0xffff, v17;
	v6 =	vld [tilespmem:s6+$0x70]  }
0xf1: {  	v8 =	vor.u32 s22, v3;
	[tilespmem:v18+s17+$0x0] =	vst.idx.msk $0xffff, v19;
	v7 =	vld [tilespmem:s6+$0xB0]  }
0xf2: {  	s15 =	sadd.s32 $0x8, s15;
	s14 =	sadd.s32 $0x7, s21;
	v4 =	vor.u32 s26, v3;
	v10 =	vld [tilespmem:s6+$0xFFFFFF30];
	[tilespmem:v20+s17+$0x0] =	vst.idx.msk $0xffff, v21;
	s6 =	sadd.s32 $0x200, s6  }
0xf3: {  	_ =	sdelay $0x3  }
0xf4: {  	v14 =	vor.u32 s14, v0;
	v15 =	vld [tilespmem:s6+$0xC0];
	[tilespmem:v13+s17+$0x0] =	vst.idx.msk $0xffff, v12  }
0xf5: {  	v12 =	vor.u32 s21, v0;
	v13 =	vld [tilespmem:s6+$0xFFFFFF00];
	s0 =	sadd.s32 $0x1, s21;
	[tilespmem:v11+s17+$0x0] =	vst.idx.msk $0xffff, v5  }
0xf6: {  	s15 =	sadd.s32 $0x2, s21;
	v5 =	vor.u32 s0, v0;
	v11 =	vld [tilespmem:s6+$0xFFFFFF40];
	[tilespmem:v9+s17+$0x0] =	vst.idx.msk $0xffff, v6  }
0xf7: {  	s16 =	sadd.s32 $0x3, s21;
	v6 =	vor.u32 s15, v0;
	v9 =	vld [tilespmem:s6+$0xFFFFFF80];
	[tilespmem:v8+s17+$0x0] =	vst.idx.msk $0xffff, v7  }
0xf8: {  	s22 =	sadd.s32 $0x4, s21;
	v7 =	vor.u32 s16, v0;
	v8 =	vld [tilespmem:s6+$0xFFFFFFC0];
	[tilespmem:v4+s17+$0x0] =	vst.idx.msk $0xffff, v10  }
0xf9: {  	v4 =	vor.u32 s22, v0;
	v10 =	vld [tilespmem:s6+$0x0];
	[tilespmem:v14+s17+$0x0] =	vst.idx.msk $0xffff, v15  }
0xfa: {  	s23 =	sadd.s32 $0x5, s21;
	[tilespmem:v12+s17+$0x0] =	vst.idx.msk $0xffff, v13;
	v12 =	vor.u32 s14, v1;
	v13 =	vld [tilespmem:s6+$0xD0]  }
0xfb: {  	s26 =	sadd.s32 $0x6, s21;
	[tilespmem:v5+s17+$0x0] =	vst.idx.msk $0xffff, v11;
	v5 =	vor.u32 s23, v0;
	v11 =	vld [tilespmem:s6+$0x40]  }
0xfc: {  	[tilespmem:v6+s17+$0x0] =	vst.idx.msk $0xffff, v9;
	v6 =	vor.u32 s26, v0;
	v9 =	vld [tilespmem:s6+$0x80]  }
0xfd: {  	v14 =	vor.u32 s0, v1;
	v15 =	vld [tilespmem:s6+$0xFFFFFF50];
	[tilespmem:v7+s17+$0x0] =	vst.idx.msk $0xffff, v8  }
0xfe: {  	v7 =	vor.u32 s15, v1;
	v8 =	vld [tilespmem:s6+$0xFFFFFF90];
	[tilespmem:v4+s17+$0x0] =	vst.idx.msk $0xffff, v10  }
0xff: {  	v4 =	vor.u32 s16, v1;
	v10 =	vld [tilespmem:s6+$0xFFFFFFD0];
	[tilespmem:v12+s17+$0x0] =	vst.idx.msk $0xffff, v13  }
0x100: {  	[tilespmem:v5+s17+$0x0] =	vst.idx.msk $0xffff, v11;
	v12 =	vor.u32 s22, v1;
	v13 =	vld [tilespmem:s6+$0x10]  }
0x101: {  	v5 =	vor.u32 s14, v2;
	v11 =	vld [tilespmem:s6+$0xE0];
	[tilespmem:v6+s17+$0x0] =	vst.idx.msk $0xffff, v9  }
0x102: {  	[tilespmem:v14+s17+$0x0] =	vst.idx.msk $0xffff, v15;
	v6 =	vor.u32 s23, v1;
	v9 =	vld [tilespmem:s6+$0x50]  }
0x103: {  	v14 =	vor.u32 s21, v1;
	v15 =	vld [tilespmem:s6+$0xFFFFFF10];
	[tilespmem:v7+s17+$0x0] =	vst.idx.msk $0xffff, v8  }
0x104: {  	v7 =	vor.u32 s26, v1;
	v8 =	vld [tilespmem:s6+$0x90];
	[tilespmem:v4+s17+$0x0] =	vst.idx.msk $0xffff, v10  }
0x105: {  	v4 =	vor.u32 s0, v2;
	v10 =	vld [tilespmem:s6+$0xFFFFFF60];
	[tilespmem:v12+s17+$0x0] =	vst.idx.msk $0xffff, v13  }
0x106: {  	v12 =	vor.u32 s15, v2;
	v13 =	vld [tilespmem:s6+$0xFFFFFFA0];
	[tilespmem:v5+s17+$0x0] =	vst.idx.msk $0xffff, v11  }
0x107: {  	[tilespmem:v6+s17+$0x0] =	vst.idx.msk $0xffff, v9;
	v6 =	vor.u32 s16, v2;
	v9 =	vld [tilespmem:s6+$0xFFFFFFE0]  }
0x108: {  	v5 =	vor.u32 s14, v3;
	[tilespmem:v14+s17+$0x0] =	vst.idx.msk $0xffff, v15;
	v11 =	vld [tilespmem:s6+$0xF0]  }
0x109: {  	[tilespmem:v7+s17+$0x0] =	vst.idx.msk $0xffff, v8;
	v7 =	vor.u32 s22, v2;
	v8 =	vld [tilespmem:s6+$0x20]  }
0x10a: {  	[tilespmem:v4+s17+$0x0] =	vst.idx.msk $0xffff, v10;
	v4 =	vor.u32 s23, v2;
	v10 =	vld [tilespmem:s6+$0x60]  }
0x10b: {  	v14 =	vor.u32 s26, v2;
	v15 =	vld [tilespmem:s6+$0xA0];
	[tilespmem:v12+s17+$0x0] =	vst.idx.msk $0xffff, v13  }
0x10c: {  	v12 =	vor.u32 s0, v3;
	v13 =	vld [tilespmem:s6+$0xFFFFFF70];
	[tilespmem:v6+s17+$0x0] =	vst.idx.msk $0xffff, v9  }
0x10d: {  	[tilespmem:v5+s17+$0x0] =	vst.idx.msk $0xffff, v11;
	v5 =	vor.u32 s21, v2;
	v11 =	vld [tilespmem:s6+$0xFFFFFF20]  }
0x10e: {  	v6 =	vor.u32 s15, v3;
	v9 =	vld [tilespmem:s6+$0xFFFFFFB0];
	[tilespmem:v7+s17+$0x0] =	vst.idx.msk $0xffff, v8  }
0x10f: {  	v7 =	vor.u32 s16, v3;
	v8 =	vld [tilespmem:s6+$0xFFFFFFF0];
	[tilespmem:v4+s17+$0x0] =	vst.idx.msk $0xffff, v10  }
0x110: {  	v4 =	vor.u32 s22, v3;
	v10 =	vld [tilespmem:s6+$0x30];
	[tilespmem:v14+s17+$0x0] =	vst.idx.msk $0xffff, v15  }
0x111: {  	[tilespmem:v12+s17+$0x0] =	vst.idx.msk $0xffff, v13;
	v12 =	vor.u32 s26, v3;
	v13 =	vld [tilespmem:s6+$0xB0]  }
0x112: {  	[tilespmem:v5+s17+$0x0] =	vst.idx.msk $0xffff, v11;
	v5 =	vor.u32 s23, v3;
	v11 =	vld [tilespmem:s6+$0x70]  }
0x113: {  	v14 =	vor.u32 s21, v3;
	[tilespmem:v6+s17+$0x0] =	vst.idx.msk $0xffff, v9;
	v15 =	vld [tilespmem:s6+$0xFFFFFF30]  }
0x114: {  	s21 =	sadd.s32 s5, s18;
	[tilespmem:v7+s17+$0x0] =	vst.idx.msk $0xffff, v8  }
0x115: {  	s22 =	sshll.u32 s21, $0xA;
	s0 =	sshll.u32 s21, $0x7;
	[tilespmem:v4+s17+$0x0] =	vst.idx.msk $0xffff, v10  }
0x116: {  	s0 =	sand.u32 $0xE80, s0;
	s6 =	sand.u32 $0xFFF8000, s22;
	[tilespmem:v12+s17+$0x0] =	vst.idx.msk $0xffff, v13  }
0x117: {  	s0 =	sor.u32 s0, s6;
	[tilespmem:v5+s17+$0x0] =	vst.idx.msk $0xffff, v11  }
0x118: {  	s6 =	sadd.s32 s2, s0;
	[tilespmem:v14+s17+$0x0] =	vst.idx.msk $0xffff, v15  }
0x119: {  	[hbm4b:s6+s3] =	stream.linear.scatter [tilespmem:s17], [sflag:$0x6], $0x400, $0x38;
	[tilespmem:$0x16400] =	vst v63  }
0x11a: {  	s26 =	simm.s32 $0x10800;
	s23 =	sadd.s32 s0, s7  }
0x11b: {  	[hbm4b:s23+s3] =	stream.linear.scatter [tilespmem:s26], [sflag:$0x6], $0x400, $0x38;
	[tilespmem:$0x16400] =	vst v63  }
0x11c: {  	s29 =	simm.s32 $0x10C00;
	s28 =	sadd.s32 s0, s8  }
0x11d: {  	[hbm4b:s28+s3] =	stream.linear.scatter [tilespmem:s29], [sflag:$0x6], $0x400, $0x38;
	[tilespmem:$0x16400] =	vst v63  }
0x11e: {  	s15 =	simm.s32 $0x11000;
	s14 =	sadd.s32 s0, s9  }
0x11f: {  	[hbm4b:s14+s3] =	stream.linear.scatter [tilespmem:s15], [sflag:$0x6], $0x400, $0x38;
	[tilespmem:$0x16400] =	vst v63  }
0x120: {  	s18 =	simm.s32 $0x11400;
	s16 =	sadd.s32 s0, s10  }
0x121: {  	[hbm4b:s16+s3] =	stream.linear.scatter [tilespmem:s18], [sflag:$0x6], $0x400, $0x38;
	[tilespmem:$0x16400] =	vst v63  }
0x122: {  	s22 =	simm.s32 $0x11800;
	s21 =	sadd.s32 s0, s11  }
0x123: {  	[hbm4b:s21+s3] =	stream.linear.scatter [tilespmem:s22], [sflag:$0x6], $0x400, $0x38;
	[tilespmem:$0x16400] =	vst v63  }
0x124: {  	s23 =	sadd.s32 s0, s12;
	s26 =	simm.s32 $0x11C00  }
0x125: {  	[hbm4b:s23+s3] =	stream.linear.scatter [tilespmem:s26], [sflag:$0x6], $0x400, $0x38;
	[tilespmem:$0x16400] =	vst v63  }
0x126: {  	s6 =	simm.s32 @!p1 $0x80;
	s0 =	sadd.s32 s0, s13;
	s28 =	simm.s32 $0x12000  }
0x127: {  	[hbm4b:s0+s3] =	stream.linear.scatter [tilespmem:s28], [sflag:$0x6], $0x400, $0x38;
	[tilespmem:$0x16400] =	vst v63  }
0x128: {  	s29 =	simm.s32 $0x3;
	s14 =	simm.s32 @!p1 $0x8400;
	s0 =	sadd.s32 @!p1 $0x280, s1  }
0x129: {  	[tilespmem:s14], [sflag:$0x2] =	stream.indirect.gather @!p1 [hbm4b:s4+s6], $0x40, s0, s6, $0xb8;
	[tilespmem:$0x16400] =	vst v63  }
0x12a: {  	_ =	swait.ge [sflag:s29], $0x2000  }
0x12b: {  	[sflag:s29] =	ssyncset.done $0x0  }
0x12c: {  	s0 =	simm.s32 @!p0 $0x7;
	[sflag:s29] =	ssyncadd.s32 $0xFFFFE000  }
0x12d: {  	_ =	swait.ge @!p0 [sflag:s0], $0x2000  }
0x12e: {  	[sflag:s0] =	ssyncset.done @!p0 $0x0  }
0x12f: {  	s6 =	simm.s32 $0xA500;
	[sflag:s0] =	ssyncadd.s32 @!p0 $0xFFFFE000;
	s0 =	simm.s32 $0x7  }
0x130: {  	s15 =	simm.s32 $0x0;
	v4 =	vor.u32 s0, v0;
	v5 =	vld [tilespmem:s6+$0xC0]  }
0x131: {  	v6 =	vor.u32 s15, v0;
	s14 =	simm.s32 $0x1;
	v7 =	vld [tilespmem:s6+$0xFFFFFF00]  }
0x132: {  	s16 =	simm.s32 $0x2;
	v8 =	vor.u32 s14, v0;
	v9 =	vld [tilespmem:s6+$0xFFFFFF40]  }
0x133: {  	v10 =	vor.u32 s16, v0;
	s22 =	simm.s32 $0x3;
	v11 =	vld [tilespmem:s6+$0xFFFFFF80]  }
0x134: {  	v12 =	vor.u32 s22, v0;
	s26 =	simm.s32 $0x4;
	v13 =	vld [tilespmem:s6+$0xFFFFFFC0]  }
0x135: {  	v14 =	vor.u32 s26, v0;
	s28 =	simm.s32 $0x5;
	v15 =	vld [tilespmem:s6+$0x0];
	[tilespmem:v4+s25+$0x0] =	vst.idx.msk $0xffff, v5  }
0x136: {  	s29 =	simm.s32 $0x6;
	[tilespmem:v6+s25+$0x0] =	vst.idx.msk $0xffff, v7;
	v6 =	vor.u32 s28, v0;
	v7 =	vld [tilespmem:s6+$0x40]  }
0x137: {  	[tilespmem:v8+s25+$0x0] =	vst.idx.msk $0xffff, v9;
	v8 =	vor.u32 s29, v0;
	v9 =	vld [tilespmem:s6+$0x80]  }
0x138: {  	v4 =	vor.u32 s0, v1;
	[tilespmem:v10+s25+$0x0] =	vst.idx.msk $0xffff, v11;
	v5 =	vld [tilespmem:s6+$0xD0]  }
0x139: {  	v10 =	vor.u32 s14, v1;
	[tilespmem:v12+s25+$0x0] =	vst.idx.msk $0xffff, v13;
	v11 =	vld [tilespmem:s6+$0xFFFFFF50]  }
0x13a: {  	v12 =	vor.u32 s16, v1;
	[tilespmem:v14+s25+$0x0] =	vst.idx.msk $0xffff, v15;
	v13 =	vld [tilespmem:s6+$0xFFFFFF90]  }
0x13b: {  	v14 =	vor.u32 s22, v1;
	v15 =	vld [tilespmem:s6+$0xFFFFFFD0];
	[tilespmem:v6+s25+$0x0] =	vst.idx.msk $0xffff, v7  }
0x13c: {  	v6 =	vor.u32 s26, v1;
	v7 =	vld [tilespmem:s6+$0x10];
	[tilespmem:v8+s25+$0x0] =	vst.idx.msk $0xffff, v9  }
0x13d: {  	v8 =	vor.u32 s28, v1;
	[tilespmem:v4+s25+$0x0] =	vst.idx.msk $0xffff, v5;
	v9 =	vld [tilespmem:s6+$0x50]  }
0x13e: {  	v4 =	vor.u32 s0, v2;
	[tilespmem:v10+s25+$0x0] =	vst.idx.msk $0xffff, v11;
	v5 =	vld [tilespmem:s6+$0xE0]  }
0x13f: {  	[tilespmem:v12+s25+$0x0] =	vst.idx.msk $0xffff, v13;
	v10 =	vor.u32 s29, v1;
	v11 =	vld [tilespmem:s6+$0x90]  }
0x140: {  	v12 =	vor.u32 s15, v1;
	v13 =	vld [tilespmem:s6+$0xFFFFFF10];
	[tilespmem:v14+s25+$0x0] =	vst.idx.msk $0xffff, v15  }
0x141: {  	v14 =	vor.u32 s14, v2;
	v15 =	vld [tilespmem:s6+$0xFFFFFF60];
	[tilespmem:v6+s25+$0x0] =	vst.idx.msk $0xffff, v7  }
0x142: {  	v6 =	vor.u32 s16, v2;
	v7 =	vld [tilespmem:s6+$0xFFFFFFA0];
	[tilespmem:v8+s25+$0x0] =	vst.idx.msk $0xffff, v9  }
0x143: {  	v8 =	vor.u32 s22, v2;
	v9 =	vld [tilespmem:s6+$0xFFFFFFE0];
	[tilespmem:v4+s25+$0x0] =	vst.idx.msk $0xffff, v5  }
0x144: {  	[tilespmem:v10+s25+$0x0] =	vst.idx.msk $0xffff, v11;
	v4 =	vor.u32 s0, v3;
	v5 =	vld [tilespmem:s6+$0xF0]  }
0x145: {  	[tilespmem:v12+s25+$0x0] =	vst.idx.msk $0xffff, v13;
	v10 =	vor.u32 s26, v2;
	v11 =	vld [tilespmem:s6+$0x20]  }
0x146: {  	v13 =	vor.u32 s28, v2;
	[tilespmem:v14+s25+$0x0] =	vst.idx.msk $0xffff, v15;
	v14 =	vld [tilespmem:s6+$0x60]  }
0x147: {  	v15 =	vor.u32 s29, v2;
	v16 =	vld [tilespmem:s6+$0xA0];
	[tilespmem:v6+s25+$0x0] =	vst.idx.msk $0xffff, v7  }
0x148: {  	v18 =	vld [tilespmem:s6+$0xFFFFFF70];
	v7 =	vor.u32 s14, v3;
	[tilespmem:v8+s25+$0x0] =	vst.idx.msk $0xffff, v9  }
0x149: {  	v17 =	vld [tilespmem:s6+$0xFFFFFF20];
	[tilespmem:v4+s25+$0x0] =	vst.idx.msk $0xffff, v5;
	v4 =	vor.u32 s15, v2  }
0x14a: {  	v19 =	vor.u32 s16, v3;
	v20 =	vld [tilespmem:s6+$0xFFFFFFB0];
	[tilespmem:v10+s25+$0x0] =	vst.idx.msk $0xffff, v11  }
0x14b: {  	v12 =	vld [tilespmem:s6+$0xFFFFFFF0];
	[tilespmem:v13+s25+$0x0] =	vst.idx.msk $0xffff, v14;
	v13 =	vor.u32 s22, v3  }
0x14c: {  	v11 =	vor.u32 s26, v3;
	[tilespmem:v15+s25+$0x0] =	vst.idx.msk $0xffff, v16;
	v5 =	vld [tilespmem:s6+$0x30]  }
0x14d: {  	v9 =	vor.u32 s28, v3;
	v6 =	vld [tilespmem:s6+$0x70];
	[tilespmem:v7+s25+$0x0] =	vst.idx.msk $0xffff, v18  }
0x14e: {  	s18 =	sor.u32 $0x2, s31;
	s21 =	simm.s32 $0x8;
	v8 =	vor.u32 s29, v3;
	v7 =	vld [tilespmem:s6+$0xB0];
	[tilespmem:v4+s25+$0x0] =	vst.idx.msk $0xffff, v17  }
0x14f: {  	s14 =	simm.s32 $0xF;
	[tilespmem:v19+s25+$0x0] =	vst.idx.msk $0xffff, v20;
	v4 =	vor.u32 s15, v3;
	s15 =	simm.s32 $0x10;
	v10 =	vld [tilespmem:s6+$0xFFFFFF30];
	s6 =	simm.s32 $0xA700  }
.LBB2_7:
0x150: {  	p2 =	slt.u32 s15, $0x78;
	v14 =	vor.u32 s14, v0;
	v15 =	vld [tilespmem:s6+$0xC0];
	[tilespmem:v13+s25+$0x0] =	vst.idx.msk $0xffff, v12;
	s26 =	smov.u32 s21;
	s21 =	smov.u32 s15  }
0x151: {  	v12 =	vor.u32 s26, v0;
	v13 =	vld [tilespmem:s6+$0xFFFFFF00];
	s28 =	sadd.s32 $0x1, s26;
	[tilespmem:v11+s25+$0x0] =	vst.idx.msk $0xffff, v5  }
0x152: {  	s29 =	sadd.s32 $0x2, s26;
	v5 =	vor.u32 s28, v0;
	v11 =	vld [tilespmem:s6+$0xFFFFFF40];
	[tilespmem:v9+s25+$0x0] =	vst.idx.msk $0xffff, v6  }
0x153: {  	s16 =	sadd.s32 $0x3, s26;
	v6 =	vor.u32 s29, v0;
	v9 =	vld [tilespmem:s6+$0xFFFFFF80];
	[tilespmem:v8+s25+$0x0] =	vst.idx.msk $0xffff, v7  }
0x154: {  	s23 =	sadd.s32 $0x4, s26;
	v7 =	vor.u32 s16, v0;
	v8 =	vld [tilespmem:s6+$0xFFFFFFC0];
	[tilespmem:v4+s25+$0x0] =	vst.idx.msk $0xffff, v10  }
0x155: {  	v4 =	vor.u32 s23, v0;
	v10 =	vld [tilespmem:s6+$0x0];
	[tilespmem:v14+s25+$0x0] =	vst.idx.msk $0xffff, v15  }
0x156: {  	s0 =	sadd.s32 $0x5, s26;
	[tilespmem:v12+s25+$0x0] =	vst.idx.msk $0xffff, v13;
	v12 =	vor.u32 s14, v1;
	v13 =	vld [tilespmem:s6+$0xD0]  }
0x157: {  	s22 =	sadd.s32 $0x6, s26;
	[tilespmem:v5+s25+$0x0] =	vst.idx.msk $0xffff, v11;
	v5 =	vor.u32 s0, v0;
	v11 =	vld [tilespmem:s6+$0x40]  }
0x158: {  	[tilespmem:v6+s25+$0x0] =	vst.idx.msk $0xffff, v9;
	v6 =	vor.u32 s22, v0;
	v9 =	vld [tilespmem:s6+$0x80]  }
0x159: {  	v14 =	vor.u32 s28, v1;
	v15 =	vld [tilespmem:s6+$0xFFFFFF50];
	[tilespmem:v7+s25+$0x0] =	vst.idx.msk $0xffff, v8  }
0x15a: {  	v7 =	vor.u32 s29, v1;
	v8 =	vld [tilespmem:s6+$0xFFFFFF90];
	[tilespmem:v4+s25+$0x0] =	vst.idx.msk $0xffff, v10  }
0x15b: {  	v4 =	vor.u32 s16, v1;
	v10 =	vld [tilespmem:s6+$0xFFFFFFD0];
	[tilespmem:v12+s25+$0x0] =	vst.idx.msk $0xffff, v13  }
0x15c: {  	[tilespmem:v5+s25+$0x0] =	vst.idx.msk $0xffff, v11;
	v5 =	vor.u32 s14, v2;
	v11 =	vld [tilespmem:s6+$0xE0]  }
0x15d: {  	v12 =	vor.u32 s23, v1;
	v13 =	vld [tilespmem:s6+$0x10];
	[tilespmem:v6+s25+$0x0] =	vst.idx.msk $0xffff, v9  }
0x15e: {  	v6 =	vor.u32 s0, v1;
	[tilespmem:v14+s25+$0x0] =	vst.idx.msk $0xffff, v15;
	v9 =	vld [tilespmem:s6+$0x50]  }
0x15f: {  	[tilespmem:v7+s25+$0x0] =	vst.idx.msk $0xffff, v8;
	v7 =	vor.u32 s22, v1;
	v8 =	vld [tilespmem:s6+$0x90]  }
0x160: {  	v14 =	vor.u32 s26, v1;
	v15 =	vld [tilespmem:s6+$0xFFFFFF10];
	[tilespmem:v4+s25+$0x0] =	vst.idx.msk $0xffff, v10  }
0x161: {  	v4 =	vor.u32 s28, v2;
	v10 =	vld [tilespmem:s6+$0xFFFFFF60];
	[tilespmem:v5+s25+$0x0] =	vst.idx.msk $0xffff, v11  }
0x162: {  	v5 =	vor.u32 s14, v3;
	[tilespmem:v12+s25+$0x0] =	vst.idx.msk $0xffff, v13;
	v11 =	vld [tilespmem:s6+$0xF0]  }
0x163: {  	v12 =	vor.u32 s29, v2;
	v13 =	vld [tilespmem:s6+$0xFFFFFFA0];
	[tilespmem:v6+s25+$0x0] =	vst.idx.msk $0xffff, v9  }
0x164: {  	v6 =	vor.u32 s16, v2;
	v9 =	vld [tilespmem:s6+$0xFFFFFFE0];
	[tilespmem:v7+s25+$0x0] =	vst.idx.msk $0xffff, v8  }
0x165: {  	v7 =	vor.u32 s23, v2;
	[tilespmem:v14+s25+$0x0] =	vst.idx.msk $0xffff, v15;
	v8 =	vld [tilespmem:s6+$0x20]  }
0x166: {  	[tilespmem:v4+s25+$0x0] =	vst.idx.msk $0xffff, v10;
	v4 =	vor.u32 s0, v2;
	v10 =	vld [tilespmem:s6+$0x60]  }
0x167: {  	v14 =	vor.u32 s22, v2;
	v15 =	vld [tilespmem:s6+$0xA0];
	[tilespmem:v5+s25+$0x0] =	vst.idx.msk $0xffff, v11  }
0x168: {  	v16 =	vor.u32 s26, v2;
	v17 =	vld [tilespmem:s6+$0xFFFFFF20];
	[tilespmem:v12+s25+$0x0] =	vst.idx.msk $0xffff, v13  }
0x169: {  	v18 =	vor.u32 s28, v3;
	v19 =	vld [tilespmem:s6+$0xFFFFFF70];
	[tilespmem:v6+s25+$0x0] =	vst.idx.msk $0xffff, v9  }
0x16a: {  	v20 =	vor.u32 s29, v3;
	v21 =	vld [tilespmem:s6+$0xFFFFFFB0];
	[tilespmem:v7+s25+$0x0] =	vst.idx.msk $0xffff, v8  }
.Ltmp4:
0x16b: {  	v13 =	vor.u32 s16, v3;
	v12 =	vld [tilespmem:s6+$0xFFFFFFF0];
	[tilespmem:v4+s25+$0x0] =	vst.idx.msk $0xffff, v10;
	(pc) =	sbr.rel @p2 .LBB2_7-.Ltmp4, $4  }
0x16c: {  	v11 =	vor.u32 s23, v3;
	v5 =	vld [tilespmem:s6+$0x30];
	[tilespmem:v14+s25+$0x0] =	vst.idx.msk $0xffff, v15  }
0x16d: {  	v9 =	vor.u32 s0, v3;
	[tilespmem:v16+s25+$0x0] =	vst.idx.msk $0xffff, v17;
	v6 =	vld [tilespmem:s6+$0x70]  }
0x16e: {  	v8 =	vor.u32 s22, v3;
	[tilespmem:v18+s25+$0x0] =	vst.idx.msk $0xffff, v19;
	v7 =	vld [tilespmem:s6+$0xB0]  }
0x16f: {  	s15 =	sadd.s32 $0x8, s15;
	s14 =	sadd.s32 $0x7, s21;
	v4 =	vor.u32 s26, v3;
	v10 =	vld [tilespmem:s6+$0xFFFFFF30];
	[tilespmem:v20+s25+$0x0] =	vst.idx.msk $0xffff, v21;
	s6 =	sadd.s32 $0x200, s6  }
0x170: {  	_ =	sdelay $0x3  }
0x171: {  	v14 =	vor.u32 s14, v0;
	v15 =	vld [tilespmem:s6+$0xC0];
	[tilespmem:v13+s25+$0x0] =	vst.idx.msk $0xffff, v12  }
0x172: {  	v12 =	vor.u32 s21, v0;
	v13 =	vld [tilespmem:s6+$0xFFFFFF00];
	s0 =	sadd.s32 $0x1, s21;
	[tilespmem:v11+s25+$0x0] =	vst.idx.msk $0xffff, v5  }
0x173: {  	s15 =	sadd.s32 $0x2, s21;
	v5 =	vor.u32 s0, v0;
	v11 =	vld [tilespmem:s6+$0xFFFFFF40];
	[tilespmem:v9+s25+$0x0] =	vst.idx.msk $0xffff, v6  }
0x174: {  	s16 =	sadd.s32 $0x3, s21;
	v6 =	vor.u32 s15, v0;
	v9 =	vld [tilespmem:s6+$0xFFFFFF80];
	[tilespmem:v8+s25+$0x0] =	vst.idx.msk $0xffff, v7  }
0x175: {  	s22 =	sadd.s32 $0x4, s21;
	v7 =	vor.u32 s16, v0;
	v8 =	vld [tilespmem:s6+$0xFFFFFFC0];
	[tilespmem:v4+s25+$0x0] =	vst.idx.msk $0xffff, v10  }
0x176: {  	v4 =	vor.u32 s22, v0;
	v10 =	vld [tilespmem:s6+$0x0];
	[tilespmem:v14+s25+$0x0] =	vst.idx.msk $0xffff, v15  }
0x177: {  	s23 =	sadd.s32 $0x5, s21;
	[tilespmem:v12+s25+$0x0] =	vst.idx.msk $0xffff, v13;
	v12 =	vor.u32 s14, v1;
	v13 =	vld [tilespmem:s6+$0xD0]  }
0x178: {  	s26 =	sadd.s32 $0x6, s21;
	[tilespmem:v5+s25+$0x0] =	vst.idx.msk $0xffff, v11;
	v5 =	vor.u32 s23, v0;
	v11 =	vld [tilespmem:s6+$0x40]  }
0x179: {  	[tilespmem:v6+s25+$0x0] =	vst.idx.msk $0xffff, v9;
	v6 =	vor.u32 s26, v0;
	v9 =	vld [tilespmem:s6+$0x80]  }
0x17a: {  	v14 =	vor.u32 s0, v1;
	v15 =	vld [tilespmem:s6+$0xFFFFFF50];
	[tilespmem:v7+s25+$0x0] =	vst.idx.msk $0xffff, v8  }
0x17b: {  	v7 =	vor.u32 s15, v1;
	v8 =	vld [tilespmem:s6+$0xFFFFFF90];
	[tilespmem:v4+s25+$0x0] =	vst.idx.msk $0xffff, v10  }
0x17c: {  	v4 =	vor.u32 s16, v1;
	v10 =	vld [tilespmem:s6+$0xFFFFFFD0];
	[tilespmem:v12+s25+$0x0] =	vst.idx.msk $0xffff, v13  }
0x17d: {  	[tilespmem:v5+s25+$0x0] =	vst.idx.msk $0xffff, v11;
	v12 =	vor.u32 s22, v1;
	v13 =	vld [tilespmem:s6+$0x10]  }
0x17e: {  	v5 =	vor.u32 s14, v2;
	v11 =	vld [tilespmem:s6+$0xE0];
	[tilespmem:v6+s25+$0x0] =	vst.idx.msk $0xffff, v9  }
0x17f: {  	[tilespmem:v14+s25+$0x0] =	vst.idx.msk $0xffff, v15;
	v6 =	vor.u32 s23, v1;
	v9 =	vld [tilespmem:s6+$0x50]  }
0x180: {  	v14 =	vor.u32 s21, v1;
	v15 =	vld [tilespmem:s6+$0xFFFFFF10];
	[tilespmem:v7+s25+$0x0] =	vst.idx.msk $0xffff, v8  }
0x181: {  	v7 =	vor.u32 s26, v1;
	v8 =	vld [tilespmem:s6+$0x90];
	[tilespmem:v4+s25+$0x0] =	vst.idx.msk $0xffff, v10  }
0x182: {  	v4 =	vor.u32 s0, v2;
	v10 =	vld [tilespmem:s6+$0xFFFFFF60];
	[tilespmem:v12+s25+$0x0] =	vst.idx.msk $0xffff, v13  }
0x183: {  	v12 =	vor.u32 s15, v2;
	v13 =	vld [tilespmem:s6+$0xFFFFFFA0];
	[tilespmem:v5+s25+$0x0] =	vst.idx.msk $0xffff, v11  }
0x184: {  	[tilespmem:v6+s25+$0x0] =	vst.idx.msk $0xffff, v9;
	v6 =	vor.u32 s16, v2;
	v9 =	vld [tilespmem:s6+$0xFFFFFFE0]  }
0x185: {  	v5 =	vor.u32 s14, v3;
	[tilespmem:v14+s25+$0x0] =	vst.idx.msk $0xffff, v15;
	v11 =	vld [tilespmem:s6+$0xF0]  }
0x186: {  	[tilespmem:v7+s25+$0x0] =	vst.idx.msk $0xffff, v8;
	v7 =	vor.u32 s22, v2;
	v8 =	vld [tilespmem:s6+$0x20]  }
0x187: {  	[tilespmem:v4+s25+$0x0] =	vst.idx.msk $0xffff, v10;
	v4 =	vor.u32 s23, v2;
	v10 =	vld [tilespmem:s6+$0x60]  }
0x188: {  	v14 =	vor.u32 s26, v2;
	v15 =	vld [tilespmem:s6+$0xA0];
	[tilespmem:v12+s25+$0x0] =	vst.idx.msk $0xffff, v13  }
0x189: {  	v12 =	vor.u32 s0, v3;
	v13 =	vld [tilespmem:s6+$0xFFFFFF70];
	[tilespmem:v6+s25+$0x0] =	vst.idx.msk $0xffff, v9  }
0x18a: {  	[tilespmem:v5+s25+$0x0] =	vst.idx.msk $0xffff, v11;
	v5 =	vor.u32 s21, v2;
	v11 =	vld [tilespmem:s6+$0xFFFFFF20]  }
0x18b: {  	v6 =	vor.u32 s15, v3;
	v9 =	vld [tilespmem:s6+$0xFFFFFFB0];
	[tilespmem:v7+s25+$0x0] =	vst.idx.msk $0xffff, v8  }
0x18c: {  	v7 =	vor.u32 s16, v3;
	v8 =	vld [tilespmem:s6+$0xFFFFFFF0];
	[tilespmem:v4+s25+$0x0] =	vst.idx.msk $0xffff, v10  }
0x18d: {  	v4 =	vor.u32 s22, v3;
	v10 =	vld [tilespmem:s6+$0x30];
	[tilespmem:v14+s25+$0x0] =	vst.idx.msk $0xffff, v15  }
0x18e: {  	[tilespmem:v12+s25+$0x0] =	vst.idx.msk $0xffff, v13;
	v12 =	vor.u32 s26, v3;
	v13 =	vld [tilespmem:s6+$0xB0]  }
0x18f: {  	[tilespmem:v5+s25+$0x0] =	vst.idx.msk $0xffff, v11;
	v5 =	vor.u32 s23, v3;
	v11 =	vld [tilespmem:s6+$0x70]  }
0x190: {  	v14 =	vor.u32 s21, v3;
	[tilespmem:v6+s25+$0x0] =	vst.idx.msk $0xffff, v9;
	v15 =	vld [tilespmem:s6+$0xFFFFFF30]  }
0x191: {  	[tilespmem:v7+s25+$0x0] =	vst.idx.msk $0xffff, v8;
	s23 =	sadd.s32 s5, s18  }
0x192: {  	[tilespmem:v4+s25+$0x0] =	vst.idx.msk $0xffff, v10;
	s26 =	sshll.u32 s23, $0xA;
	s0 =	sshll.u32 s23, $0x7  }
0x193: {  	s6 =	sand.u32 $0xFFF8000, s26;
	s0 =	sand.u32 $0xF00, s0;
	[tilespmem:v12+s25+$0x0] =	vst.idx.msk $0xffff, v13  }
0x194: {  	s0 =	sor.u32 s0, s6;
	[tilespmem:v5+s25+$0x0] =	vst.idx.msk $0xffff, v11  }
0x195: {  	s6 =	sadd.s32 s2, s0;
	[tilespmem:v14+s25+$0x0] =	vst.idx.msk $0xffff, v15  }
0x196: {  	[hbm4b:s6+s3] =	stream.linear.scatter [tilespmem:s25], [sflag:$0x7], $0x400, $0x38;
	[tilespmem:$0x16400] =	vst v63  }
0x197: {  	s29 =	simm.s32 $0x12800;
	s28 =	sadd.s32 s0, s7  }
0x198: {  	[hbm4b:s28+s3] =	stream.linear.scatter [tilespmem:s29], [sflag:$0x7], $0x400, $0x38;
	[tilespmem:$0x16400] =	vst v63  }
0x199: {  	s15 =	simm.s32 $0x12C00;
	s14 =	sadd.s32 s0, s8  }
0x19a: {  	[hbm4b:s14+s3] =	stream.linear.scatter [tilespmem:s15], [sflag:$0x7], $0x400, $0x38;
	[tilespmem:$0x16400] =	vst v63  }
0x19b: {  	s18 =	simm.s32 $0x13000;
	s16 =	sadd.s32 s0, s9  }
0x19c: {  	[hbm4b:s16+s3] =	stream.linear.scatter [tilespmem:s18], [sflag:$0x7], $0x400, $0x38;
	[tilespmem:$0x16400] =	vst v63  }
0x19d: {  	s22 =	simm.s32 $0x13400;
	s21 =	sadd.s32 s0, s10  }
0x19e: {  	[hbm4b:s21+s3] =	stream.linear.scatter [tilespmem:s22], [sflag:$0x7], $0x400, $0x38;
	[tilespmem:$0x16400] =	vst v63  }
0x19f: {  	s26 =	simm.s32 $0x13800;
	s23 =	sadd.s32 s0, s11  }
0x1a0: {  	[hbm4b:s23+s3] =	stream.linear.scatter [tilespmem:s26], [sflag:$0x7], $0x400, $0x38;
	[tilespmem:$0x16400] =	vst v63  }
0x1a1: {  	s28 =	sadd.s32 s0, s12;
	s29 =	simm.s32 $0x13C00  }
0x1a2: {  	[hbm4b:s28+s3] =	stream.linear.scatter [tilespmem:s29], [sflag:$0x7], $0x400, $0x38;
	[tilespmem:$0x16400] =	vst v63  }
0x1a3: {  	s0 =	sadd.s32 s0, s13;
	s15 =	simm.s32 $0x14000  }
0x1a4: {  	[hbm4b:s0+s3] =	stream.linear.scatter [tilespmem:s15], [sflag:$0x7], $0x400, $0x38;
	[tilespmem:$0x16400] =	vst v63  }
0x1a5: {  	s6 =	simm.s32 @!p1 $0xA400;
	s0 =	sadd.s32 @!p1 $0x300, s1;
	s1 =	simm.s32 @!p1 $0x80  }
0x1a6: {  	[tilespmem:s6], [sflag:$0x3] =	stream.indirect.gather @!p1 [hbm4b:s4+s1], $0x40, s0, s1, $0xb8;
	[tilespmem:$0x16400] =	vst v63  }
0x1a7: {  	_ =	swait.ge [sflag:s19], $0x2000  }
0x1a8: {  	[sflag:s19] =	ssyncset.done $0x0  }
0x1a9: {  	s0 =	simm.s32 @!p0 $0x8;
	[sflag:s19] =	ssyncadd.s32 $0xFFFFE000  }
0x1aa: {  	_ =	swait.ge @!p0 [sflag:s0], $0x2000  }
0x1ab: {  	[sflag:s0] =	ssyncset.done @!p0 $0x0  }
0x1ac: {  	s16 =	simm.s32 $0x7;
	s6 =	simm.s32 $0xC500;
	[sflag:s0] =	ssyncadd.s32 @!p0 $0xFFFFE000  }
0x1ad: {  	v4 =	vor.u32 s16, v0;
	s15 =	simm.s32 $0x0;
	v5 =	vld [tilespmem:s6+$0xC0]  }
0x1ae: {  	s18 =	simm.s32 $0x1;
	v6 =	vor.u32 s15, v0;
	v7 =	vld [tilespmem:s6+$0xFFFFFF00]  }
0x1af: {  	v8 =	vor.u32 s18, v0;
	s21 =	simm.s32 $0x2;
	v9 =	vld [tilespmem:s6+$0xFFFFFF40]  }
0x1b0: {  	v10 =	vor.u32 s21, v0;
	s23 =	simm.s32 $0x3;
	v11 =	vld [tilespmem:s6+$0xFFFFFF80]  }
0x1b1: {  	s26 =	simm.s32 $0x4;
	v12 =	vor.u32 s23, v0;
	v13 =	vld [tilespmem:s6+$0xFFFFFFC0]  }
0x1b2: {  	v14 =	vor.u32 s26, v0;
	s28 =	simm.s32 $0x5;
	v15 =	vld [tilespmem:s6+$0x0];
	[tilespmem:v4+s20+$0x0] =	vst.idx.msk $0xffff, v5  }
0x1b3: {  	s29 =	simm.s32 $0x6;
	[tilespmem:v6+s20+$0x0] =	vst.idx.msk $0xffff, v7;
	v6 =	vor.u32 s28, v0;
	v7 =	vld [tilespmem:s6+$0x40]  }
0x1b4: {  	[tilespmem:v8+s20+$0x0] =	vst.idx.msk $0xffff, v9;
	v8 =	vor.u32 s29, v0;
	v9 =	vld [tilespmem:s6+$0x80]  }
0x1b5: {  	v4 =	vor.u32 s16, v1;
	[tilespmem:v10+s20+$0x0] =	vst.idx.msk $0xffff, v11;
	v5 =	vld [tilespmem:s6+$0xD0]  }
0x1b6: {  	v10 =	vor.u32 s18, v1;
	[tilespmem:v12+s20+$0x0] =	vst.idx.msk $0xffff, v13;
	v11 =	vld [tilespmem:s6+$0xFFFFFF50]  }
0x1b7: {  	v12 =	vor.u32 s21, v1;
	[tilespmem:v14+s20+$0x0] =	vst.idx.msk $0xffff, v15;
	v13 =	vld [tilespmem:s6+$0xFFFFFF90]  }
0x1b8: {  	v14 =	vor.u32 s23, v1;
	v15 =	vld [tilespmem:s6+$0xFFFFFFD0];
	[tilespmem:v6+s20+$0x0] =	vst.idx.msk $0xffff, v7  }
0x1b9: {  	v6 =	vor.u32 s26, v1;
	v7 =	vld [tilespmem:s6+$0x10];
	[tilespmem:v8+s20+$0x0] =	vst.idx.msk $0xffff, v9  }
0x1ba: {  	v8 =	vor.u32 s28, v1;
	[tilespmem:v4+s20+$0x0] =	vst.idx.msk $0xffff, v5;
	v9 =	vld [tilespmem:s6+$0x50]  }
0x1bb: {  	v4 =	vor.u32 s16, v2;
	[tilespmem:v10+s20+$0x0] =	vst.idx.msk $0xffff, v11;
	v5 =	vld [tilespmem:s6+$0xE0]  }
0x1bc: {  	[tilespmem:v12+s20+$0x0] =	vst.idx.msk $0xffff, v13;
	v10 =	vor.u32 s29, v1;
	v11 =	vld [tilespmem:s6+$0x90]  }
0x1bd: {  	v12 =	vor.u32 s15, v1;
	v13 =	vld [tilespmem:s6+$0xFFFFFF10];
	[tilespmem:v14+s20+$0x0] =	vst.idx.msk $0xffff, v15  }
0x1be: {  	v14 =	vor.u32 s18, v2;
	v15 =	vld [tilespmem:s6+$0xFFFFFF60];
	[tilespmem:v6+s20+$0x0] =	vst.idx.msk $0xffff, v7  }
0x1bf: {  	v6 =	vor.u32 s21, v2;
	v7 =	vld [tilespmem:s6+$0xFFFFFFA0];
	[tilespmem:v8+s20+$0x0] =	vst.idx.msk $0xffff, v9  }
0x1c0: {  	v8 =	vor.u32 s23, v2;
	v9 =	vld [tilespmem:s6+$0xFFFFFFE0];
	[tilespmem:v4+s20+$0x0] =	vst.idx.msk $0xffff, v5  }
0x1c1: {  	[tilespmem:v10+s20+$0x0] =	vst.idx.msk $0xffff, v11;
	v4 =	vor.u32 s16, v3;
	v5 =	vld [tilespmem:s6+$0xF0]  }
0x1c2: {  	[tilespmem:v12+s20+$0x0] =	vst.idx.msk $0xffff, v13;
	v10 =	vor.u32 s26, v2;
	v11 =	vld [tilespmem:s6+$0x20]  }
0x1c3: {  	v13 =	vor.u32 s28, v2;
	[tilespmem:v14+s20+$0x0] =	vst.idx.msk $0xffff, v15;
	v14 =	vld [tilespmem:s6+$0x60]  }
0x1c4: {  	v15 =	vor.u32 s29, v2;
	v16 =	vld [tilespmem:s6+$0xA0];
	[tilespmem:v6+s20+$0x0] =	vst.idx.msk $0xffff, v7  }
0x1c5: {  	v18 =	vld [tilespmem:s6+$0xFFFFFF70];
	v7 =	vor.u32 s18, v3;
	[tilespmem:v8+s20+$0x0] =	vst.idx.msk $0xffff, v9  }
0x1c6: {  	v17 =	vld [tilespmem:s6+$0xFFFFFF20];
	[tilespmem:v4+s20+$0x0] =	vst.idx.msk $0xffff, v5;
	v4 =	vor.u32 s15, v2  }
0x1c7: {  	v19 =	vor.u32 s21, v3;
	v20 =	vld [tilespmem:s6+$0xFFFFFFB0];
	[tilespmem:v10+s20+$0x0] =	vst.idx.msk $0xffff, v11  }
0x1c8: {  	v12 =	vld [tilespmem:s6+$0xFFFFFFF0];
	[tilespmem:v13+s20+$0x0] =	vst.idx.msk $0xffff, v14;
	v13 =	vor.u32 s23, v3  }
0x1c9: {  	v11 =	vor.u32 s26, v3;
	[tilespmem:v15+s20+$0x0] =	vst.idx.msk $0xffff, v16;
	v5 =	vld [tilespmem:s6+$0x30]  }
0x1ca: {  	v9 =	vor.u32 s28, v3;
	v6 =	vld [tilespmem:s6+$0x70];
	[tilespmem:v7+s20+$0x0] =	vst.idx.msk $0xffff, v18  }
0x1cb: {  	s14 =	simm.s32 $0xF;
	s1 =	sor.u32 $0x3, s31;
	v8 =	vor.u32 s29, v3;
	v7 =	vld [tilespmem:s6+$0xB0];
	[tilespmem:v4+s20+$0x0] =	vst.idx.msk $0xffff, v17  }
0x1cc: {  	s18 =	simm.s32 $0x8;
	[tilespmem:v19+s20+$0x0] =	vst.idx.msk $0xffff, v20;
	v4 =	vor.u32 s15, v3;
	s15 =	simm.s32 $0x10;
	v10 =	vld [tilespmem:s6+$0xFFFFFF30];
	s6 =	simm.s32 $0xC700  }
.LBB2_9:
0x1cd: {  	p0 =	slt.u32 s15, $0x78;
	v14 =	vor.u32 s14, v0;
	v15 =	vld [tilespmem:s6+$0xC0];
	[tilespmem:v13+s20+$0x0] =	vst.idx.msk $0xffff, v12;
	s21 =	smov.u32 s18;
	s18 =	smov.u32 s15  }
0x1ce: {  	v12 =	vor.u32 s21, v0;
	v13 =	vld [tilespmem:s6+$0xFFFFFF00];
	s26 =	sadd.s32 $0x1, s21;
	[tilespmem:v11+s20+$0x0] =	vst.idx.msk $0xffff, v5  }
0x1cf: {  	s28 =	sadd.s32 $0x2, s21;
	v5 =	vor.u32 s26, v0;
	v11 =	vld [tilespmem:s6+$0xFFFFFF40];
	[tilespmem:v9+s20+$0x0] =	vst.idx.msk $0xffff, v6  }
0x1d0: {  	s16 =	sadd.s32 $0x3, s21;
	v6 =	vor.u32 s28, v0;
	v9 =	vld [tilespmem:s6+$0xFFFFFF80];
	[tilespmem:v8+s20+$0x0] =	vst.idx.msk $0xffff, v7  }
0x1d1: {  	s23 =	sadd.s32 $0x4, s21;
	v7 =	vor.u32 s16, v0;
	v8 =	vld [tilespmem:s6+$0xFFFFFFC0];
	[tilespmem:v4+s20+$0x0] =	vst.idx.msk $0xffff, v10  }
0x1d2: {  	v4 =	vor.u32 s23, v0;
	v10 =	vld [tilespmem:s6+$0x0];
	[tilespmem:v14+s20+$0x0] =	vst.idx.msk $0xffff, v15  }
0x1d3: {  	s0 =	sadd.s32 $0x5, s21;
	[tilespmem:v12+s20+$0x0] =	vst.idx.msk $0xffff, v13;
	v12 =	vor.u32 s14, v1;
	v13 =	vld [tilespmem:s6+$0xD0]  }
0x1d4: {  	s22 =	sadd.s32 $0x6, s21;
	[tilespmem:v5+s20+$0x0] =	vst.idx.msk $0xffff, v11;
	v5 =	vor.u32 s0, v0;
	v11 =	vld [tilespmem:s6+$0x40]  }
0x1d5: {  	[tilespmem:v6+s20+$0x0] =	vst.idx.msk $0xffff, v9;
	v6 =	vor.u32 s22, v0;
	v9 =	vld [tilespmem:s6+$0x80]  }
0x1d6: {  	v14 =	vor.u32 s26, v1;
	v15 =	vld [tilespmem:s6+$0xFFFFFF50];
	[tilespmem:v7+s20+$0x0] =	vst.idx.msk $0xffff, v8  }
0x1d7: {  	v7 =	vor.u32 s28, v1;
	v8 =	vld [tilespmem:s6+$0xFFFFFF90];
	[tilespmem:v4+s20+$0x0] =	vst.idx.msk $0xffff, v10  }
0x1d8: {  	v4 =	vor.u32 s16, v1;
	v10 =	vld [tilespmem:s6+$0xFFFFFFD0];
	[tilespmem:v12+s20+$0x0] =	vst.idx.msk $0xffff, v13  }
0x1d9: {  	[tilespmem:v5+s20+$0x0] =	vst.idx.msk $0xffff, v11;
	v5 =	vor.u32 s14, v2;
	v11 =	vld [tilespmem:s6+$0xE0]  }
0x1da: {  	v12 =	vor.u32 s23, v1;
	v13 =	vld [tilespmem:s6+$0x10];
	[tilespmem:v6+s20+$0x0] =	vst.idx.msk $0xffff, v9  }
0x1db: {  	v6 =	vor.u32 s0, v1;
	[tilespmem:v14+s20+$0x0] =	vst.idx.msk $0xffff, v15;
	v9 =	vld [tilespmem:s6+$0x50]  }
0x1dc: {  	[tilespmem:v7+s20+$0x0] =	vst.idx.msk $0xffff, v8;
	v7 =	vor.u32 s22, v1;
	v8 =	vld [tilespmem:s6+$0x90]  }
0x1dd: {  	v14 =	vor.u32 s21, v1;
	v15 =	vld [tilespmem:s6+$0xFFFFFF10];
	[tilespmem:v4+s20+$0x0] =	vst.idx.msk $0xffff, v10  }
0x1de: {  	v4 =	vor.u32 s26, v2;
	v10 =	vld [tilespmem:s6+$0xFFFFFF60];
	[tilespmem:v5+s20+$0x0] =	vst.idx.msk $0xffff, v11  }
0x1df: {  	v5 =	vor.u32 s14, v3;
	[tilespmem:v12+s20+$0x0] =	vst.idx.msk $0xffff, v13;
	v11 =	vld [tilespmem:s6+$0xF0]  }
0x1e0: {  	v12 =	vor.u32 s28, v2;
	v13 =	vld [tilespmem:s6+$0xFFFFFFA0];
	[tilespmem:v6+s20+$0x0] =	vst.idx.msk $0xffff, v9  }
0x1e1: {  	v6 =	vor.u32 s16, v2;
	v9 =	vld [tilespmem:s6+$0xFFFFFFE0];
	[tilespmem:v7+s20+$0x0] =	vst.idx.msk $0xffff, v8  }
0x1e2: {  	v7 =	vor.u32 s23, v2;
	[tilespmem:v14+s20+$0x0] =	vst.idx.msk $0xffff, v15;
	v8 =	vld [tilespmem:s6+$0x20]  }
0x1e3: {  	[tilespmem:v4+s20+$0x0] =	vst.idx.msk $0xffff, v10;
	v4 =	vor.u32 s0, v2;
	v10 =	vld [tilespmem:s6+$0x60]  }
0x1e4: {  	v14 =	vor.u32 s22, v2;
	v15 =	vld [tilespmem:s6+$0xA0];
	[tilespmem:v5+s20+$0x0] =	vst.idx.msk $0xffff, v11  }
0x1e5: {  	v16 =	vor.u32 s21, v2;
	v17 =	vld [tilespmem:s6+$0xFFFFFF20];
	[tilespmem:v12+s20+$0x0] =	vst.idx.msk $0xffff, v13  }
0x1e6: {  	v18 =	vor.u32 s26, v3;
	v19 =	vld [tilespmem:s6+$0xFFFFFF70];
	[tilespmem:v6+s20+$0x0] =	vst.idx.msk $0xffff, v9  }
0x1e7: {  	v20 =	vor.u32 s28, v3;
	v21 =	vld [tilespmem:s6+$0xFFFFFFB0];
	[tilespmem:v7+s20+$0x0] =	vst.idx.msk $0xffff, v8  }
.Ltmp5:
0x1e8: {  	v13 =	vor.u32 s16, v3;
	v12 =	vld [tilespmem:s6+$0xFFFFFFF0];
	[tilespmem:v4+s20+$0x0] =	vst.idx.msk $0xffff, v10;
	(pc) =	sbr.rel @p0 .LBB2_9-.Ltmp5, $4  }
0x1e9: {  	v11 =	vor.u32 s23, v3;
	v5 =	vld [tilespmem:s6+$0x30];
	[tilespmem:v14+s20+$0x0] =	vst.idx.msk $0xffff, v15  }
0x1ea: {  	v9 =	vor.u32 s0, v3;
	[tilespmem:v16+s20+$0x0] =	vst.idx.msk $0xffff, v17;
	v6 =	vld [tilespmem:s6+$0x70]  }
0x1eb: {  	v8 =	vor.u32 s22, v3;
	[tilespmem:v18+s20+$0x0] =	vst.idx.msk $0xffff, v19;
	v7 =	vld [tilespmem:s6+$0xB0]  }
0x1ec: {  	s15 =	sadd.s32 $0x8, s15;
	s14 =	sadd.s32 $0x7, s18;
	v4 =	vor.u32 s21, v3;
	v10 =	vld [tilespmem:s6+$0xFFFFFF30];
	[tilespmem:v20+s20+$0x0] =	vst.idx.msk $0xffff, v21;
	s6 =	sadd.s32 $0x200, s6  }
0x1ed: {  	_ =	sdelay $0x3  }
0x1ee: {  	v14 =	vor.u32 s14, v0;
	v15 =	vld [tilespmem:s6+$0xC0];
	[tilespmem:v13+s20+$0x0] =	vst.idx.msk $0xffff, v12  }
0x1ef: {  	v62 =	vor.u32 s18, v0;
	v63 =	vld [tilespmem:s6+$0xFFFFFF00];
	s0 =	sadd.s32 $0x1, s18;
	[tilespmem:v11+s20+$0x0] =	vst.idx.msk $0xffff, v5  }
0x1f0: {  	v16 =	vld [tilespmem:s6+$0xFFFFFF40];
	s15 =	sadd.s32 $0x2, s18;
	v5 =	vor.u32 s0, v0;
	[tilespmem:v9+s20+$0x0] =	vst.idx.msk $0xffff, v6  }
0x1f1: {  	v18 =	vld [tilespmem:s6+$0xFFFFFF80];
	s16 =	sadd.s32 $0x3, s18;
	v17 =	vor.u32 s15, v0;
	[tilespmem:v8+s20+$0x0] =	vst.idx.msk $0xffff, v7  }
0x1f2: {  	v20 =	vld [tilespmem:s6+$0xFFFFFFC0];
	s23 =	sadd.s32 $0x6, s18;
	v19 =	vor.u32 s16, v0;
	[tilespmem:v4+s20+$0x0] =	vst.idx.msk $0xffff, v10  }
0x1f3: {  	s21 =	sadd.s32 $0x4, s18;
	v26 =	vld [tilespmem:s6+$0x80];
	v25 =	vor.u32 s23, v0;
	[tilespmem:v14+s20+$0x0] =	vst.idx.msk $0xffff, v15  }
0x1f4: {  	v21 =	vld [tilespmem:s6+$0x0];
	v4 =	vor.u32 s21, v0;
	[tilespmem:v62+s20+$0x0] =	vst.idx.msk $0xffff, v63  }
0x1f5: {  	s22 =	sadd.s32 $0x5, s18;
	v22 =	vor.u32 s14, v1;
	v23 =	vld [tilespmem:s6+$0xD0];
	[tilespmem:v5+s20+$0x0] =	vst.idx.msk $0xffff, v16  }
0x1f6: {  	v24 =	vld [tilespmem:s6+$0x40];
	v5 =	vor.u32 s22, v0;
	[tilespmem:v17+s20+$0x0] =	vst.idx.msk $0xffff, v18  }
0x1f7: {  	v39 =	vor.u32 s18, v1;
	[tilespmem:v19+s20+$0x0] =	vst.idx.msk $0xffff, v20;
	v40 =	vld [tilespmem:s6+$0xFFFFFF10]  }
0x1f8: {  	v27 =	vor.u32 s0, v1;
	[tilespmem:v25+s20+$0x0] =	vst.idx.msk $0xffff, v26;
	v28 =	vld [tilespmem:s6+$0xFFFFFF50]  }
0x1f9: {  	v29 =	vor.u32 s15, v1;
	v30 =	vld [tilespmem:s6+$0xFFFFFF90];
	[tilespmem:v4+s20+$0x0] =	vst.idx.msk $0xffff, v21  }
0x1fa: {  	v37 =	vor.u32 s23, v1;
	v38 =	vld [tilespmem:s6+$0x90];
	[tilespmem:v22+s20+$0x0] =	vst.idx.msk $0xffff, v23  }
0x1fb: {  	v31 =	vld [tilespmem:s6+$0xFFFFFFD0];
	v4 =	vor.u32 s16, v1;
	[tilespmem:v5+s20+$0x0] =	vst.idx.msk $0xffff, v24  }
0x1fc: {  	v5 =	vor.u32 s14, v2;
	[tilespmem:v39+s20+$0x0] =	vst.idx.msk $0xffff, v40;
	v32 =	vld [tilespmem:s6+$0xE0]  }
0x1fd: {  	v33 =	vor.u32 s21, v1;
	v34 =	vld [tilespmem:s6+$0x10];
	[tilespmem:v27+s20+$0x0] =	vst.idx.msk $0xffff, v28  }
0x1fe: {  	v35 =	vor.u32 s22, v1;
	v36 =	vld [tilespmem:s6+$0x50];
	[tilespmem:v29+s20+$0x0] =	vst.idx.msk $0xffff, v30  }
0x1ff: {  	v42 =	vor.u32 s15, v2;
	[tilespmem:v37+s20+$0x0] =	vst.idx.msk $0xffff, v38;
	v43 =	vld [tilespmem:s6+$0xFFFFFFA0]  }
0x200: {  	v41 =	vld [tilespmem:s6+$0xFFFFFF60];
	[tilespmem:v4+s20+$0x0] =	vst.idx.msk $0xffff, v31;
	v4 =	vor.u32 s0, v2  }
0x201: {  	v49 =	vor.u32 s23, v2;
	v50 =	vld [tilespmem:s6+$0xA0];
	[tilespmem:v5+s20+$0x0] =	vst.idx.msk $0xffff, v32  }
0x202: {  	[tilespmem:v33+s20+$0x0] =	vst.idx.msk $0xffff, v34;
	v5 =	vor.u32 s14, v3;
	v11 =	vld [tilespmem:s6+$0xF0]  }
0x203: {  	v44 =	vor.u32 s16, v2;
	v45 =	vld [tilespmem:s6+$0xFFFFFFE0];
	[tilespmem:v35+s20+$0x0] =	vst.idx.msk $0xffff, v36  }
0x204: {  	v46 =	vor.u32 s21, v2;
	v47 =	vld [tilespmem:s6+$0x20];
	[tilespmem:v42+s20+$0x0] =	vst.idx.msk $0xffff, v43  }
0x205: {  	v48 =	vld [tilespmem:s6+$0x60];
	[tilespmem:v4+s20+$0x0] =	vst.idx.msk $0xffff, v41;
	v4 =	vor.u32 s22, v2  }
0x206: {  	v54 =	vor.u32 s15, v3;
	[tilespmem:v49+s20+$0x0] =	vst.idx.msk $0xffff, v50;
	v55 =	vld [tilespmem:s6+$0xFFFFFFB0]  }
0x207: {  	v51 =	vld [tilespmem:s6+$0xFFFFFF20];
	[tilespmem:v5+s20+$0x0] =	vst.idx.msk $0xffff, v11;
	v5 =	vor.u32 s18, v2  }
0x208: {  	v60 =	vor.u32 s23, v3;
	v61 =	vld [tilespmem:s6+$0xB0];
	[tilespmem:v44+s20+$0x0] =	vst.idx.msk $0xffff, v45  }
0x209: {  	v52 =	vor.u32 s0, v3;
	v53 =	vld [tilespmem:s6+$0xFFFFFF70];
	[tilespmem:v46+s20+$0x0] =	vst.idx.msk $0xffff, v47  }
0x20a: {  	v56 =	vor.u32 s16, v3;
	v57 =	vld [tilespmem:s6+$0xFFFFFFF0];
	[tilespmem:v4+s20+$0x0] =	vst.idx.msk $0xffff, v48  }
0x20b: {  	v58 =	vld [tilespmem:s6+$0x30];
	v4 =	vor.u32 s21, v3;
	[tilespmem:v54+s20+$0x0] =	vst.idx.msk $0xffff, v55  }
0x20c: {  	v59 =	vor.u32 s22, v3;
	[tilespmem:v5+s20+$0x0] =	vst.idx.msk $0xffff, v51;
	v5 =	vld [tilespmem:s6+$0x70]  }
0x20d: {  	v62 =	vor.u32 s18, v3;
	[tilespmem:v60+s20+$0x0] =	vst.idx.msk $0xffff, v61;
	v63 =	vld [tilespmem:s6+$0xFFFFFF30]  }
0x20e: {  	s28 =	sadd.s32 s5, s1;
	[tilespmem:v52+s20+$0x0] =	vst.idx.msk $0xffff, v53  }
0x20f: {  	s1 =	sshll.u32 s28, $0xA;
	s0 =	sshll.u32 s28, $0x7;
	[tilespmem:v56+s20+$0x0] =	vst.idx.msk $0xffff, v57  }
0x210: {  	s1 =	sand.u32 $0xFFF8000, s1;
	s0 =	sand.u32 $0xF80, s0;
	[tilespmem:v4+s20+$0x0] =	vst.idx.msk $0xffff, v58  }
0x211: {  	s0 =	sor.u32 s0, s1;
	[tilespmem:v59+s20+$0x0] =	vst.idx.msk $0xffff, v5  }
0x212: {  	s1 =	sadd.s32 s2, s0;
	[tilespmem:v62+s20+$0x0] =	vst.idx.msk $0xffff, v63  }
0x213: {  	[hbm4b:s1+s3] =	stream.linear.scatter [tilespmem:s20], [sflag:$0x8], $0x400, $0x38;
	[tilespmem:$0x16400] =	vst v63  }
0x214: {  	s31 =	simm.s32 $0x14800;
	s29 =	sadd.s32 s0, s7  }
0x215: {  	[hbm4b:s29+s3] =	stream.linear.scatter [tilespmem:s31], [sflag:$0x8], $0x400, $0x38;
	[tilespmem:$0x16400] =	vst v63  }
0x216: {  	s15 =	simm.s32 $0x14C00;
	s14 =	sadd.s32 s0, s8  }
0x217: {  	[hbm4b:s14+s3] =	stream.linear.scatter [tilespmem:s15], [sflag:$0x8], $0x400, $0x38;
	[tilespmem:$0x16400] =	vst v63  }
0x218: {  	s16 =	sadd.s32 s0, s9;
	s18 =	simm.s32 $0x15000  }
0x219: {  	[hbm4b:s16+s3] =	stream.linear.scatter [tilespmem:s18], [sflag:$0x8], $0x400, $0x38;
	[tilespmem:$0x16400] =	vst v63  }
0x21a: {  	s22 =	simm.s32 $0x15400;
	s21 =	sadd.s32 s0, s10  }
0x21b: {  	[hbm4b:s21+s3] =	stream.linear.scatter [tilespmem:s22], [sflag:$0x8], $0x400, $0x38;
	[tilespmem:$0x16400] =	vst v63  }
0x21c: {  	s26 =	simm.s32 $0x15800;
	s23 =	sadd.s32 s0, s11  }
0x21d: {  	[hbm4b:s23+s3] =	stream.linear.scatter [tilespmem:s26], [sflag:$0x8], $0x400, $0x38;
	[tilespmem:$0x16400] =	vst v63  }
.Ltmp6:
0x21e: {  	_ = 	snop;
	(pc) =	sbr.rel @p1 .LBB2_12-.Ltmp6, $4  }
0x21f: {  	s28 =	sadd.s32 s0, s12;
	s29 =	simm.s32 $0x15C00  }
0x220: {  	[hbm4b:s28+s3] =	stream.linear.scatter [tilespmem:s29], [sflag:$0x8], $0x400, $0x38;
	[tilespmem:$0x16400] =	vst v63  }
0x221: {  	s0 =	sadd.s32 s0, s13;
	s31 =	simm.s32 $0x16000  }
0x222: {  	[hbm4b:s0+s3] =	stream.linear.scatter [tilespmem:s31], [sflag:$0x8], $0x400, $0x38;
	[tilespmem:$0x16400] =	vst v63  }
.Ltmp7:
0x223: {  	(pc) =	sbr.rel .LBB2_2-.Ltmp7, $4  }
0x224: {  	s0 =	sshll.u32 s30, $0x9  }
0x225: {  	s1 =	simm.s32 $0x80;
	s0 =	sand.u32 $0x3FFFFE00, s0  }
0x226: {  	s6 =	simm.s32 $0xC400;
	s30 =	sadd.s32 $0x1, s30;
	s0 =	sadd.s32 $0x380, s0  }
0x227: {  	[tilespmem:s6], [sflag:$0x4] =	stream.indirect.gather [hbm4b:s4+s1], $0x40, s0, s1, $0xb8;
	[tilespmem:$0x16400] =	vst v63  }
.LBB2_13:
0x228: {  	_ =	sfence.sel $0x180000  }
0x229: {  	[bflag:$0x0] =	sbarrier.arrive $0xFFFF  }
0x22a: {  	_ =	strace $0x90000047  }
0x22b: {  	s0 =	stileid.u32;
	[bflag:$0x2] =	sbarrier.arrive $0xFFFF  }
0x22c: {  	p0 =	sne.s32 s0, $0x0;
	s0 =	rddreg [dreg:$0x2]  }
0x22d: {  	s0 =	sadd.s32 @!p0 $0x100000, s0  }
0x22e: {  	[sflag:s0] =	ssyncadd.tile.s32 @!p0 $0x1;
	_ =	shalt  }
.Lfunc_end2:
_tile_overlayer_lowered:
.L_overlay_start_2:
0x22f: {  	(tag) =	ssettag $0x2  }
0x230: {  	s0 =	rddreg [dreg:$0x0];
	s2 =	stileid.u32  }
0x231: {  	s1 =	rddreg [dreg:$0x1];
	p0 =	sne.s32 s2, $0x0  }
0x232: {  	s3 =	rddreg [dreg:$0x2];
	[bflag:$0x3] =	sbarrier.arrive $0xFFFF;
	s2 =	simm.s32 @!p0 $0x1C09  }
0x233: {  	[timem:s3], [sflag:s2] =	dma.local @!p0 [hbm:s0], s1  }
0x234: {  	s0 =	simm.s32 @!p0 $0x9  }
0x235: {  	_ =	swait.ge @!p0 [sflag:s0], s1  }
0x236: {  	s1 =	ssub.s32 @!p0 $0x0, s1;
	[sflag:s0] =	ssyncset.done @!p0 $0x0  }
0x237: {  	[sflag:s0] =	ssyncadd.s32 @!p0 s1  }
0x238: {  	[bflag:$0x3] =	sbarrier.arrive $0xFFFF  }
0x239: {  	_ =	shalt  }

</sc_bundles>
